<compile_context>
chip_gen: v7x
topology: tpu7x:2x2x1
jax: 0.10.2.dev20260603
libtpu: 0.0.44.dev20260713+nightly
codegen_flags: <defaults>
</compile_context>

<pallas_src>
import functools

import jax
import jax.numpy as jnp
from jax import lax
from jax.experimental import pallas as pl
from jax.experimental.pallas import tpu as pltpu
from jax.experimental.pallas import tpu_sc as plsc

_LANES = 16
_CHUNK = 3072
_STRIDE = 2048
_IDXW = 128
_ROWS = _CHUNK // _IDXW
_SROWS = _STRIDE // _IDXW


def _sc_body(ns, total_supp, seg_w,
             ctrl8, jm2, tp, cpad, out,
             shtab, cseg, idx2d, tpv, rows, acc,
             sem_i, sem_t, sem_g):
  iota = lax.iota(jnp.int32, _LANES)
  col1 = jnp.full((_LANES,), 1, jnp.int32)
  col2 = jnp.full((_LANES,), 2, jnp.int32)
  col0 = jnp.zeros((_LANES,), jnp.int32)
  m3 = iota < 3
  fzero = jnp.zeros((_LANES,), jnp.float32)
  max_row0 = total_supp // _IDXW - _ROWS

  sid = lax.axis_index("s")
  wid = lax.axis_index("c") * ns + sid
  s0 = wid * seg_w

  @pl.when(sid == 0)
  def _():
    pltpu.sync_copy(ctrl8, shtab)

  plsc.subcore_barrier()

  pltpu.sync_copy(cpad.at[pl.ds(s0, seg_w + 32)], cseg)

  def _cs(i):
    return cseg[pl.ds(i, _LANES)][0]

  p0 = _cs(0)
  p1 = _cs(seg_w)
  row00 = (p0 >> 7) & ~jnp.int32(7)

  def _rowof(k):
    r = jnp.minimum(row00 + k * _SROWS, max_row0)
    return pl.multiple_of(r, 8)

  def _wbof(k):
    return _rowof(k) * _IDXW

  def _fire_idx(k):
    par = k & 1
    pltpu.async_copy(jm2.at[pl.ds(_rowof(k), _ROWS)],
                     idx2d.at[pl.ds(par * _ROWS, _ROWS)], sem_i)

  def _fire_gtp(k):
    par = k & 1
    row = _rowof(k)
    pltpu.async_copy(tp.at[pl.ds(row * _IDXW, _CHUNK)],
                     tpv.at[pl.ds(par * _CHUNK, _CHUNK)], sem_t)

    def fire(j, _):
      pltpu.async_copy(shtab.at[idx2d.at[par * _ROWS + j]],
                       rows.at[pl.ds(par * _CHUNK + j * _IDXW, _IDXW)],
                       sem_g)
      return 0

    lax.fori_loop(0, _ROWS, fire, 0)

  def _drain_g():
    pltpu.make_async_copy(ctrl8.at[idx2d.at[0]],
                          rows.at[pl.ds(0, _CHUNK)], sem_g).wait()

  def _wait_tp():
    pltpu.make_async_copy(tp.at[pl.ds(0, _CHUNK)],
                          tpv.at[pl.ds(0, _CHUNK)], sem_t).wait()

  def _wait_idx():
    pltpu.make_async_copy(jm2.at[pl.ds(0, _ROWS)],
                          idx2d.at[pl.ds(0, _ROWS)], sem_i).wait()

  _fire_idx(0)
  _wait_idx()
  _fire_gtp(0)
  _fire_idx(1)
  _drain_g()
  _wait_tp()
  _wait_idx()
  _fire_gtp(2 - 1)
  _fire_idx(2)

  def _advance(trigger, k):
    @pl.when(trigger)
    def _():
      _drain_g()
      _wait_tp()
      _wait_idx()
      _fire_gtp(k + 2)
      _fire_idx(k + 3)

    return jnp.where(trigger, k + 1, k)

  def seg_body(s_, carry):
    k, cs = carry
    cn = _cs(s_ + 1)
    plen = cn - cs
    nfull = plen >> 4
    rem = plen & (_LANES - 1)
    npieces = (nfull + 63) >> 6

    def piece(p, c):
      k_, vx, vy, vz = c
      bs0 = cs + (p << 10)
      cnt = jnp.minimum(nfull - (p << 6), 64)
      k_ = _advance(bs0 + (cnt << 4) > _wbof(k_) + _CHUNK, k_)
      off0 = (bs0 - _wbof(k_)) + (k_ & 1) * _CHUNK + iota

      def blk(i, cc):
        vx_, vy_, vz_, off = cc
        tpg = plsc.load_gather(tpv, [off])
        gx = plsc.load_gather(rows, [off, col0])
        gy = plsc.load_gather(rows, [off, col1])
        gz = plsc.load_gather(rows, [off, col2])
        return (vx_ + tpg * gx, vy_ + tpg * gy, vz_ + tpg * gz,
                off + _LANES)

      vx, vy, vz, _ = lax.fori_loop(0, cnt, blk, (vx, vy, vz, off0))
      return (k_, vx, vy, vz)

    k, vx, vy, vz = lax.fori_loop(0, npieces, piece,
                                  (k, fzero, fzero, fzero))

    bs = cs + (nfull << 4)
    k = _advance((rem > 0) & (jnp.minimum(bs + _LANES, p1)
                              > _wbof(k) + _CHUNK), k)
    valid = iota < rem
    off = (bs - _wbof(k)) + (k & 1) * _CHUNK + iota
    tpg = jnp.where(valid, plsc.load_gather(tpv, [off], mask=valid), 0.0)
    gx = jnp.where(valid, plsc.load_gather(rows, [off, col0], mask=valid), 0.0)
    gy = jnp.where(valid, plsc.load_gather(rows, [off, col1], mask=valid), 0.0)
    gz = jnp.where(valid, plsc.load_gather(rows, [off, col2], mask=valid), 0.0)
    vx = vx + tpg * gx
    vy = vy + tpg * gy
    vz = vz + tpg * gz

    sx = jnp.sum(vx)
    sy = jnp.sum(vy)
    sz = jnp.sum(vz)
    contrib = (jnp.where(iota == 0, sx, 0.0)
               + jnp.where(iota == 1, sy, 0.0)
               + jnp.where(iota == 2, sz, 0.0))
    plsc.store_scatter(acc, [3 * s_ + iota], contrib, mask=m3)
    return (k, cn)

  lax.fori_loop(0, seg_w, seg_body, (jnp.int32(0), p0))

  _drain_g()
  _wait_tp()
  _wait_idx()

  pltpu.sync_copy(acc.at[pl.ds(0, seg_w * 3)],
                  out.at[pl.ds(wid * seg_w * 3, seg_w * 3)])


def kernel(ctrl_pts, Jm_array, tensor_prod, num_supp_bs_cumsum):
  num_ctrl = ctrl_pts.shape[0]
  total_supp = Jm_array.shape[0]
  num_eval = num_supp_bs_cumsum.shape[0] - 1

  try:
    info = plsc.get_sparse_core_info()
    nc, ns = info.num_cores, info.num_subcores
  except ValueError:
    nc, ns = 2, 16
  nw = nc * ns
  seg_w = num_eval // nw
  assert num_eval % nw == 0 and total_supp % _IDXW == 0

  ctrl8 = jnp.pad(ctrl_pts, ((0, 0), (0, 5)))
  jm2 = Jm_array.reshape(total_supp // _IDXW, _IDXW)
  cpad = jnp.pad(num_supp_bs_cumsum, (0, 32))

  accw = seg_w * 3 + _LANES

  mesh = plsc.VectorSubcoreMesh(core_axis_name="c", subcore_axis_name="s",
                                num_cores=nc, num_subcores=ns)
  out_flat = pl.kernel(
      functools.partial(_sc_body, ns, total_supp, seg_w),
      out_type=jax.ShapeDtypeStruct((num_eval * 3,), jnp.float32),
      mesh=mesh,
      compiler_params=pltpu.CompilerParams(needs_layout_passes=False,
                                           use_tc_tiling_on_sc=False),
      scratch_types=[
          pltpu.VMEM_SHARED((num_ctrl, 8), jnp.float32),
          pltpu.VMEM((seg_w + 32,), jnp.int32),
          pltpu.VMEM((2 * _ROWS, _IDXW), jnp.int32),
          pltpu.VMEM((2 * _CHUNK,), jnp.float32),
          pltpu.VMEM((2 * _CHUNK, 8), jnp.float32),
          pltpu.VMEM((accw,), jnp.float32),
          pltpu.SemaphoreType.DMA,
          pltpu.SemaphoreType.DMA,
          pltpu.SemaphoreType.DMA,
      ],
  )(ctrl8, jm2, tensor_prod, cpad)

  return out_flat.reshape(num_eval, 3)

# --- scband reference (transcript-rebuilt; emitter-appended) ---
"""Pipeline reference for scband-thb-nn-module-63230508531898 (READ-ONLY COPY).

The authoritative reference and input builder live on the scoring server;
editing this copy changes nothing except your own understanding.
"""

import jax, jax.numpy as jnp
import numpy as np

NUM_CTRL = 100000
NUM_EVAL = 65536
TOTAL_SUPP = 4194304

def setup_inputs(seed: int = 0) -> dict:
    key = jax.random.key(seed)
    k1, k2, k3, k4 = jax.random.split(key, 4)
    ctrl_pts = jax.random.normal(k1, (NUM_CTRL, 3), dtype=jnp.float32)
    Jm_array = jax.random.randint(k2, (TOTAL_SUPP,), 0, NUM_CTRL, dtype=jnp.int32)
    tensor_prod = jax.random.uniform(k3, (TOTAL_SUPP,), dtype=jnp.float32)
    interior = jnp.sort(jax.random.randint(k4, (NUM_EVAL - 1,), 0, TOTAL_SUPP, dtype=jnp.int32))
    num_supp_bs_cumsum = jnp.concatenate([
        jnp.zeros((1,), dtype=jnp.int32),
        interior,
        jnp.full((1,), TOTAL_SUPP, dtype=jnp.int32),
    ])
    return {
        "ctrl_pts": ctrl_pts,
        "Jm_array": Jm_array,
        "tensor_prod": tensor_prod,
        "num_supp_bs_cumsum": num_supp_bs_cumsum,
    }

def reference(ctrl_pts, Jm_array, tensor_prod, num_supp_bs_cumsum):
    # THB-spline evaluation: for each evaluation point i (a ragged segment
    # delimited by num_supp_bs_cumsum[i]:num_supp_bs_cumsum[i+1]),
    # out[i] = sum_j tensor_prod[j] * ctrl_pts[Jm_array[j]].
    total_supp = Jm_array.shape[0]
    num_eval = num_supp_bs_cumsum.shape[0] - 1
    positions = jnp.arange(total_supp, dtype=num_supp_bs_cumsum.dtype)
    seg_ids = jnp.searchsorted(num_supp_bs_cumsum[1:], positions, side="right")
    gathered = jnp.take(ctrl_pts, Jm_array, axis=0)  # [TOTAL_SUPP, 3] gather
    weighted = gathered * tensor_prod[:, None]
    out = jax.ops.segment_sum(weighted, seg_ids, num_segments=num_eval)
    return out

if __name__ == "__main__":
    import jax
    _d = setup_inputs()
    print(jax.jit(kernel)(*tuple(_d.values())))

</pallas_src>

<mosaic_0001>
#map = affine_map<(d0, d1) -> (0, 0)>
#map1 = affine_map<(d0, d1) -> (0)>
module attributes {stable_mosaic.version = 14 : i64} {
  func.func @_sc_body(%arg0: i32, %arg1: i32, %arg2: memref<100000x8xf32, #tpu.memory_space<hbm>>, %arg3: memref<32768x128xi32, #tpu.memory_space<hbm>>, %arg4: memref<4194304xf32, #tpu.memory_space<hbm>>, %arg5: memref<65569xi32, #tpu.memory_space<hbm>>, %arg6: memref<196608xf32, #tpu.memory_space<hbm>>, %arg7: memref<100000x8xf32, #tpu.memory_space<vmem_shared>>, %arg8: memref<2080xi32, #tpu.memory_space<vmem>>, %arg9: memref<48x128xi32, #tpu.memory_space<vmem>>, %arg10: memref<6144xf32, #tpu.memory_space<vmem>>, %arg11: memref<6144x8xf32, #tpu.memory_space<vmem>>, %arg12: memref<6160xf32, #tpu.memory_space<vmem>>, %arg13: memref<!tpu.dma_semaphore, #tpu.memory_space<semaphore_mem>>, %arg14: memref<!tpu.dma_semaphore, #tpu.memory_space<semaphore_mem>>, %arg15: memref<!tpu.dma_semaphore, #tpu.memory_space<semaphore_mem>>) attributes {dimension_semantics = [#tpu.dimension_semantics<core_parallel>, #tpu.dimension_semantics<subcore_parallel>], iteration_bounds = array<i64: 2, 16>, scalar_prefetch = 0 : i64, scratch_operands = 9 : i64, tpu.core_type = #tpu.core_type<sc_vector_subcore>, window_params = [{transform_indices = #map}, {transform_indices = #map}, {transform_indices = #map1}, {transform_indices = #map1}, {transform_indices = #map1}]} {
    %iota3A = tpu.iota {dimensions = array<i32: 0>} : vector<16xi32>
    %broadcast_in_dim3A = arith.constant 1 : i32
    %broadcast_in_dim3A_0 = vector.broadcast %broadcast_in_dim3A : i32 to vector<16xi32>
    %broadcast_in_dim3A_1 = arith.constant 2 : i32
    %broadcast_in_dim3A_2 = vector.broadcast %broadcast_in_dim3A_1 : i32 to vector<16xi32>
    %broadcast_in_dim3A_3 = arith.constant 0 : i32
    %broadcast_in_dim3A_4 = vector.broadcast %broadcast_in_dim3A_3 : i32 to vector<16xi32>
    %lt3A = arith.constant 3 : i32
    %lt3A_5 = vector.broadcast %lt3A : i32 to vector<16xi32>
    %lt3A_6 = arith.cmpi slt, %iota3A, %lt3A_5 : vector<16xi32>
    %broadcast_in_dim3A_7 = arith.constant 0.000000e+00 : f32
    %broadcast_in_dim3A_8 = vector.broadcast %broadcast_in_dim3A_7 : f32 to vector<16xf32>
    %mul3A = arith.constant 16 : i32
    %mul3A_9 = arith.muli %arg0, %mul3A : i32
    %add3A = arith.addi %mul3A_9, %arg1 : i32
    %mul3A_10 = arith.constant 2048 : i32
    %mul3A_11 = arith.muli %add3A, %mul3A_10 : i32
    %eq3A = arith.constant 0 : i32
    %eq3A_12 = arith.cmpi eq, %arg1, %eq3A : i32
    %convert_element_type3A = arith.extui %eq3A_12 : i1 to i32
    %cond3A = arith.constant 0 : i32
    %cond3A_13 = arith.cmpi ne, %convert_element_type3A, %cond3A : i32
    scf.if %cond3A_13 {
      "tpu.region"() ({
        %run_scoped3A = tpu.sem_alloc : memref<!tpu.dma_semaphore, #tpu.memory_space<semaphore_mem>>
        tpu.enqueue_dma source(%arg2 : memref<100000x8xf32, #tpu.memory_space<hbm>>) target(%arg7 : memref<100000x8xf32, #tpu.memory_space<vmem_shared>>) target_semaphore(%run_scoped3A : memref<!tpu.dma_semaphore, #tpu.memory_space<semaphore_mem>>)
        tpu.wait_dma2 semaphore(%run_scoped3A : memref<!tpu.dma_semaphore, #tpu.memory_space<semaphore_mem>>) src(%arg2 : memref<100000x8xf32, #tpu.memory_space<hbm>>) dst(%arg7 : memref<100000x8xf32, #tpu.memory_space<vmem_shared>>)
        tpu.yield
      }) : () -> ()
    } else {
    }
    %barrier3A = arith.constant 0 : index
    tpu.barrier barrier_id(%barrier3A)
    "tpu.region"() ({
      %run_scoped3A = tpu.sem_alloc : memref<!tpu.dma_semaphore, #tpu.memory_space<semaphore_mem>>
      %dma_start3A_185 = tpu.memref_slice %arg5[%mul3A_11] : memref<65569xi32, #tpu.memory_space<hbm>> -> memref<2080xi32, #tpu.memory_space<hbm>>
      %dma_start3A_186 = tpu.memref_slice %arg5[%mul3A_11] : memref<65569xi32, #tpu.memory_space<hbm>> -> memref<2080xi32, #tpu.memory_space<hbm>>
      tpu.enqueue_dma source(%dma_start3A_186 : memref<2080xi32, #tpu.memory_space<hbm>>) target(%arg8 : memref<2080xi32, #tpu.memory_space<vmem>>) target_semaphore(%run_scoped3A : memref<!tpu.dma_semaphore, #tpu.memory_space<semaphore_mem>>)
      %dma_wait3A_187 = tpu.memref_slice %arg5[%mul3A_11] : memref<65569xi32, #tpu.memory_space<hbm>> -> memref<2080xi32, #tpu.memory_space<hbm>>
      %dma_wait3A_188 = tpu.memref_slice %arg5[%mul3A_11] : memref<65569xi32, #tpu.memory_space<hbm>> -> memref<2080xi32, #tpu.memory_space<hbm>>
      tpu.wait_dma2 semaphore(%run_scoped3A : memref<!tpu.dma_semaphore, #tpu.memory_space<semaphore_mem>>) src(%dma_wait3A_188 : memref<2080xi32, #tpu.memory_space<hbm>>) dst(%arg8 : memref<2080xi32, #tpu.memory_space<vmem>>)
      tpu.yield
    }) : () -> ()
    %get3A = arith.constant 0 : index
    %get3A_14 = tpu.vector_load %arg8[%get3A] {strides = array<i32>} : memref<2080xi32, #tpu.memory_space<vmem>>, vector<16xi32>,
    %slice3A = vector.extract_strided_slice %get3A_14 {offsets = [0], sizes = [1], strides = [1]} : vector<16xi32> to vector<1xi32>
    %squeeze3A = vector.extract %slice3A[0] : i32 from vector<1xi32>
    %get3A_15 = arith.constant 2048 : index
    %get3A_16 = tpu.vector_load %arg8[%get3A_15] {strides = array<i32>} : memref<2080xi32, #tpu.memory_space<vmem>>, vector<16xi32>,
    %slice3A_17 = vector.extract_strided_slice %get3A_16 {offsets = [0], sizes = [1], strides = [1]} : vector<16xi32> to vector<1xi32>
    %squeeze3A_18 = vector.extract %slice3A_17[0] : i32 from vector<1xi32>
    %shift_right_arithmetic3A = arith.constant 7 : i32
    %shift_right_arithmetic3A_19 = arith.shrsi %squeeze3A, %shift_right_arithmetic3A : i32
    %not3A = arith.constant 7 : i32
    %not3A_20 = arith.constant -1 : i32
    %not3A_21 = arith.xori %not3A, %not3A_20 : i32
    %and3A = arith.andi %shift_right_arithmetic3A_19, %not3A_21 : i32
    %add3A_22 = arith.constant 0 : i32
    %add3A_23 = arith.addi %and3A, %add3A_22 : i32
    %min3A = arith.constant 32744 : i32
    %min3A_24 = arith.minsi %add3A_23, %min3A : i32
    %multiple_of3A = tpu.assume_multiple %min3A_24, 8 : i32
    %dma_start3A = arith.constant 0 : i32
    %dma_start3A_25 = arith.constant 0 : i32
    %dma_start3A_26 = tpu.memref_slice %arg9[%dma_start3A, %dma_start3A_25] : memref<48x128xi32, #tpu.memory_space<vmem>> -> memref<24x128xi32, #tpu.memory_space<vmem>>
    %dma_start3A_27 = arith.constant 0 : i32
    %dma_start3A_28 = tpu.memref_slice %arg3[%multiple_of3A, %dma_start3A_27] : memref<32768x128xi32, #tpu.memory_space<hbm>> -> memref<24x128xi32, #tpu.memory_space<hbm>>
    %dma_start3A_29 = arith.constant 0 : i32
    %dma_start3A_30 = arith.constant 0 : i32
    %dma_start3A_31 = tpu.memref_slice %arg9[%dma_start3A_29, %dma_start3A_30] : memref<48x128xi32, #tpu.memory_space<vmem>> -> memref<24x128xi32, #tpu.memory_space<vmem>>
    %dma_start3A_32 = arith.constant 0 : i32
    %dma_start3A_33 = tpu.memref_slice %arg3[%multiple_of3A, %dma_start3A_32] : memref<32768x128xi32, #tpu.memory_space<hbm>> -> memref<24x128xi32, #tpu.memory_space<hbm>>
    tpu.enqueue_dma source(%dma_start3A_33 : memref<24x128xi32, #tpu.memory_space<hbm>>) target(%dma_start3A_31 : memref<24x128xi32, #tpu.memory_space<vmem>>) target_semaphore(%arg13 : memref<!tpu.dma_semaphore, #tpu.memory_space<semaphore_mem>>)
    %dma_wait3A = arith.constant 0 : i32
    %dma_wait3A_34 = arith.constant 0 : i32
    %dma_wait3A_35 = tpu.memref_slice %arg9[%dma_wait3A, %dma_wait3A_34] : memref<48x128xi32, #tpu.memory_space<vmem>> -> memref<24x128xi32, #tpu.memory_space<vmem>>
    %dma_wait3A_36 = arith.constant 0 : i32
    %dma_wait3A_37 = arith.constant 0 : i32
    %dma_wait3A_38 = tpu.memref_slice %arg3[%dma_wait3A_36, %dma_wait3A_37] : memref<32768x128xi32, #tpu.memory_space<hbm>> -> memref<24x128xi32, #tpu.memory_space<hbm>>
    %dma_wait3A_39 = arith.constant 0 : i32
    %dma_wait3A_40 = arith.constant 0 : i32
    %dma_wait3A_41 = tpu.memref_slice %arg9[%dma_wait3A_39, %dma_wait3A_40] : memref<48x128xi32, #tpu.memory_space<vmem>> -> memref<24x128xi32, #tpu.memory_space<vmem>>
    %dma_wait3A_42 = arith.constant 0 : i32
    %dma_wait3A_43 = arith.constant 0 : i32
    %dma_wait3A_44 = tpu.memref_slice %arg3[%dma_wait3A_42, %dma_wait3A_43] : memref<32768x128xi32, #tpu.memory_space<hbm>> -> memref<24x128xi32, #tpu.memory_space<hbm>>
    tpu.wait_dma2 semaphore(%arg13 : memref<!tpu.dma_semaphore, #tpu.memory_space<semaphore_mem>>) src(%dma_wait3A_44 : memref<24x128xi32, #tpu.memory_space<hbm>>) dst(%dma_wait3A_41 : memref<24x128xi32, #tpu.memory_space<vmem>>)
    %add3A_45 = arith.constant 0 : i32
    %add3A_46 = arith.addi %and3A, %add3A_45 : i32
    %min3A_47 = arith.constant 32744 : i32
    %min3A_48 = arith.minsi %add3A_46, %min3A_47 : i32
    %multiple_of3A_49 = tpu.assume_multiple %min3A_48, 8 : i32
    %mul3A_50 = arith.constant 128 : i32
    %mul3A_51 = arith.muli %multiple_of3A_49, %mul3A_50 : i32
    %dma_start3A_52 = arith.constant 0 : i32
    %dma_start3A_53 = tpu.memref_slice %arg10[%dma_start3A_52] : memref<6144xf32, #tpu.memory_space<vmem>> -> memref<3072xf32, #tpu.memory_space<vmem>>
    %dma_start3A_54 = tpu.memref_slice %arg4[%mul3A_51] : memref<4194304xf32, #tpu.memory_space<hbm>> -> memref<3072xf32, #tpu.memory_space<hbm>>
    %dma_start3A_55 = arith.constant 0 : i32
    %dma_start3A_56 = tpu.memref_slice %arg10[%dma_start3A_55] : memref<6144xf32, #tpu.memory_space<vmem>> -> memref<3072xf32, #tpu.memory_space<vmem>>
    %dma_start3A_57 = tpu.memref_slice %arg4[%mul3A_51] : memref<4194304xf32, #tpu.memory_space<hbm>> -> memref<3072xf32, #tpu.memory_space<hbm>>
    tpu.enqueue_dma source(%dma_start3A_57 : memref<3072xf32, #tpu.memory_space<hbm>>) target(%dma_start3A_56 : memref<3072xf32, #tpu.memory_space<vmem>>) target_semaphore(%arg14 : memref<!tpu.dma_semaphore, #tpu.memory_space<semaphore_mem>>)
    %scan3A = arith.constant 0 : i32
    %scan3A_58 = arith.constant 0 : i32
    %scan3A_59 = arith.constant 24 : i32
    %scan3A_60 = arith.addi %scan3A_58, %scan3A_59 : i32
    %scan3A_61 = arith.constant 1 : i32
    %scan3A_62 = scf.for %scan3A_185 = %scan3A_58 to %scan3A_60 step %scan3A_61 iter_args(%scan3A_186 = %scan3A) -> (i32)  : i32 {
      %add3A_187 = arith.constant 0 : i32
      %add3A_188 = arith.addi %add3A_187, %scan3A_185 : i32
      %mul3A_189 = arith.constant 128 : i32
      %mul3A_190 = arith.muli %scan3A_185, %mul3A_189 : i32
      %add3A_191 = arith.constant 0 : i32
      %add3A_192 = arith.addi %add3A_191, %mul3A_190 : i32
      %dma_start3A_193 = arith.constant 0 : i32
      %dma_start3A_194 = tpu.memref_slice %arg11[%add3A_192, %dma_start3A_193] : memref<6144x8xf32, #tpu.memory_space<vmem>> -> memref<128x8xf32, #tpu.memory_space<vmem>>
      %dma_start3A_195 = arith.constant 0 : i32
      %dma_start3A_196 = tpu.memref_slice %arg9[%add3A_188, %dma_start3A_195] : memref<48x128xi32, #tpu.memory_space<vmem>> -> memref<1x128xi32, #tpu.memory_space<vmem>>
      %dma_start3A_197 = tpu.memref_squeeze %dma_start3A_196 : memref<1x128xi32, #tpu.memory_space<vmem>> -> memref<128xi32, #tpu.memory_space<vmem>>
      %dma_start3A_198 = arith.constant 0 : i32
      %dma_start3A_199 = arith.constant 0 : i32
      %dma_start3A_200 = tpu.memref_slice %arg7[%dma_start3A_198, %dma_start3A_199] : memref<100000x8xf32, #tpu.memory_space<vmem_shared>> -> memref<100000x8xf32, #tpu.memory_space<vmem_shared>>
      tpu.enqueue_indirect_dma source(%dma_start3A_200 : memref<100000x8xf32, #tpu.memory_space<vmem_shared>>) target(%dma_start3A_194 : memref<128x8xf32, #tpu.memory_space<vmem>>) offsets(%dma_start3A_197 : memref<128xi32, #tpu.memory_space<vmem>>) semaphore(%arg15 : memref<!tpu.dma_semaphore, #tpu.memory_space<semaphore_mem>>)
      %scan3A_201 = arith.constant 0 : i32
      scf.yield %scan3A_201 : i32
    }
    %scan3A_63 = arith.constant 24 : i32
    %add3A_64 = arith.constant 16 : i32
    %add3A_65 = arith.addi %and3A, %add3A_64 : i32
    %min3A_66 = arith.constant 32744 : i32
    %min3A_67 = arith.minsi %add3A_65, %min3A_66 : i32
    %multiple_of3A_68 = tpu.assume_multiple %min3A_67, 8 : i32
    %dma_start3A_69 = arith.constant 24 : i32
    %dma_start3A_70 = arith.constant 0 : i32
    %dma_start3A_71 = tpu.memref_slice %arg9[%dma_start3A_69, %dma_start3A_70] : memref<48x128xi32, #tpu.memory_space<vmem>> -> memref<24x128xi32, #tpu.memory_space<vmem>>
    %dma_start3A_72 = arith.constant 0 : i32
    %dma_start3A_73 = tpu.memref_slice %arg3[%multiple_of3A_68, %dma_start3A_72] : memref<32768x128xi32, #tpu.memory_space<hbm>> -> memref<24x128xi32, #tpu.memory_space<hbm>>
    %dma_start3A_74 = arith.constant 24 : i32
    %dma_start3A_75 = arith.constant 0 : i32
    %dma_start3A_76 = tpu.memref_slice %arg9[%dma_start3A_74, %dma_start3A_75] : memref<48x128xi32, #tpu.memory_space<vmem>> -> memref<24x128xi32, #tpu.memory_space<vmem>>
    %dma_start3A_77 = arith.constant 0 : i32
    %dma_start3A_78 = tpu.memref_slice %arg3[%multiple_of3A_68, %dma_start3A_77] : memref<32768x128xi32, #tpu.memory_space<hbm>> -> memref<24x128xi32, #tpu.memory_space<hbm>>
    tpu.enqueue_dma source(%dma_start3A_78 : memref<24x128xi32, #tpu.memory_space<hbm>>) target(%dma_start3A_76 : memref<24x128xi32, #tpu.memory_space<vmem>>) target_semaphore(%arg13 : memref<!tpu.dma_semaphore, #tpu.memory_space<semaphore_mem>>)
    %dma_wait3A_79 = arith.constant 0 : i32
    %dma_wait3A_80 = arith.constant 0 : i32
    %dma_wait3A_81 = arith.constant 0 : i32
    %dma_wait3A_82 = tpu.memref_slice %arg11[%dma_wait3A_80, %dma_wait3A_81] : memref<6144x8xf32, #tpu.memory_space<vmem>> -> memref<3072x8xf32, #tpu.memory_space<vmem>>
    %dma_wait3A_83 = arith.constant 0 : i32
    %dma_wait3A_84 = tpu.memref_slice %arg9[%dma_wait3A_79, %dma_wait3A_83] : memref<48x128xi32, #tpu.memory_space<vmem>> -> memref<1x128xi32, #tpu.memory_space<vmem>>
    %dma_wait3A_85 = tpu.memref_squeeze %dma_wait3A_84 : memref<1x128xi32, #tpu.memory_space<vmem>> -> memref<128xi32, #tpu.memory_space<vmem>>
    %dma_wait3A_86 = arith.constant 0 : i32
    %dma_wait3A_87 = arith.constant 0 : i32
    %dma_wait3A_88 = tpu.memref_slice %arg2[%dma_wait3A_86, %dma_wait3A_87] : memref<100000x8xf32, #tpu.memory_space<hbm>> -> memref<100000x8xf32, #tpu.memory_space<hbm>>
    tpu.wait_indirect_dma semaphore(%arg15 : memref<!tpu.dma_semaphore, #tpu.memory_space<semaphore_mem>>) src(%dma_wait3A_88 : memref<100000x8xf32, #tpu.memory_space<hbm>>) dst(%dma_wait3A_82 : memref<3072x8xf32, #tpu.memory_space<vmem>>)
    %dma_wait3A_89 = arith.constant 0 : i32
    %dma_wait3A_90 = tpu.memref_slice %arg10[%dma_wait3A_89] : memref<6144xf32, #tpu.memory_space<vmem>> -> memref<3072xf32, #tpu.memory_space<vmem>>
    %dma_wait3A_91 = arith.constant 0 : i32
    %dma_wait3A_92 = tpu.memref_slice %arg4[%dma_wait3A_91] : memref<4194304xf32, #tpu.memory_space<hbm>> -> memref<3072xf32, #tpu.memory_space<hbm>>
    %dma_wait3A_93 = arith.constant 0 : i32
    %dma_wait3A_94 = tpu.memref_slice %arg10[%dma_wait3A_93] : memref<6144xf32, #tpu.memory_space<vmem>> -> memref<3072xf32, #tpu.memory_space<vmem>>
    %dma_wait3A_95 = arith.constant 0 : i32
    %dma_wait3A_96 = tpu.memref_slice %arg4[%dma_wait3A_95] : memref<4194304xf32, #tpu.memory_space<hbm>> -> memref<3072xf32, #tpu.memory_space<hbm>>
    tpu.wait_dma2 semaphore(%arg14 : memref<!tpu.dma_semaphore, #tpu.memory_space<semaphore_mem>>) src(%dma_wait3A_96 : memref<3072xf32, #tpu.memory_space<hbm>>) dst(%dma_wait3A_94 : memref<3072xf32, #tpu.memory_space<vmem>>)
    %dma_wait3A_97 = arith.constant 0 : i32
    %dma_wait3A_98 = arith.constant 0 : i32
    %dma_wait3A_99 = tpu.memref_slice %arg9[%dma_wait3A_97, %dma_wait3A_98] : memref<48x128xi32, #tpu.memory_space<vmem>> -> memref<24x128xi32, #tpu.memory_space<vmem>>
    %dma_wait3A_100 = arith.constant 0 : i32
    %dma_wait3A_101 = arith.constant 0 : i32
    %dma_wait3A_102 = tpu.memref_slice %arg3[%dma_wait3A_100, %dma_wait3A_101] : memref<32768x128xi32, #tpu.memory_space<hbm>> -> memref<24x128xi32, #tpu.memory_space<hbm>>
    %dma_wait3A_103 = arith.constant 0 : i32
    %dma_wait3A_104 = arith.constant 0 : i32
    %dma_wait3A_105 = tpu.memref_slice %arg9[%dma_wait3A_103, %dma_wait3A_104] : memref<48x128xi32, #tpu.memory_space<vmem>> -> memref<24x128xi32, #tpu.memory_space<vmem>>
    %dma_wait3A_106 = arith.constant 0 : i32
    %dma_wait3A_107 = arith.constant 0 : i32
    %dma_wait3A_108 = tpu.memref_slice %arg3[%dma_wait3A_106, %dma_wait3A_107] : memref<32768x128xi32, #tpu.memory_space<hbm>> -> memref<24x128xi32, #tpu.memory_space<hbm>>
    tpu.wait_dma2 semaphore(%arg13 : memref<!tpu.dma_semaphore, #tpu.memory_space<semaphore_mem>>) src(%dma_wait3A_108 : memref<24x128xi32, #tpu.memory_space<hbm>>) dst(%dma_wait3A_105 : memref<24x128xi32, #tpu.memory_space<vmem>>)
    %add3A_109 = arith.constant 16 : i32
    %add3A_110 = arith.addi %and3A, %add3A_109 : i32
    %min3A_111 = arith.constant 32744 : i32
    %min3A_112 = arith.minsi %add3A_110, %min3A_111 : i32
    %multiple_of3A_113 = tpu.assume_multiple %min3A_112, 8 : i32
    %mul3A_114 = arith.constant 128 : i32
    %mul3A_115 = arith.muli %multiple_of3A_113, %mul3A_114 : i32
    %dma_start3A_116 = arith.constant 3072 : i32
    %dma_start3A_117 = tpu.memref_slice %arg10[%dma_start3A_116] : memref<6144xf32, #tpu.memory_space<vmem>> -> memref<3072xf32, #tpu.memory_space<vmem>>
    %dma_start3A_118 = tpu.memref_slice %arg4[%mul3A_115] : memref<4194304xf32, #tpu.memory_space<hbm>> -> memref<3072xf32, #tpu.memory_space<hbm>>
    %dma_start3A_119 = arith.constant 3072 : i32
    %dma_start3A_120 = tpu.memref_slice %arg10[%dma_start3A_119] : memref<6144xf32, #tpu.memory_space<vmem>> -> memref<3072xf32, #tpu.memory_space<vmem>>
    %dma_start3A_121 = tpu.memref_slice %arg4[%mul3A_115] : memref<4194304xf32, #tpu.memory_space<hbm>> -> memref<3072xf32, #tpu.memory_space<hbm>>
    tpu.enqueue_dma source(%dma_start3A_121 : memref<3072xf32, #tpu.memory_space<hbm>>) target(%dma_start3A_120 : memref<3072xf32, #tpu.memory_space<vmem>>) target_semaphore(%arg14 : memref<!tpu.dma_semaphore, #tpu.memory_space<semaphore_mem>>)
    %scan3A_122 = arith.constant 0 : i32
    %scan3A_123 = arith.constant 0 : i32
    %scan3A_124 = arith.constant 24 : i32
    %scan3A_125 = arith.addi %scan3A_123, %scan3A_124 : i32
    %scan3A_126 = arith.constant 1 : i32
    %scan3A_127 = scf.for %scan3A_185 = %scan3A_123 to %scan3A_125 step %scan3A_126 iter_args(%scan3A_186 = %scan3A_122) -> (i32)  : i32 {
      %add3A_187 = arith.constant 24 : i32
      %add3A_188 = arith.addi %add3A_187, %scan3A_185 : i32
      %mul3A_189 = arith.constant 128 : i32
      %mul3A_190 = arith.muli %scan3A_185, %mul3A_189 : i32
      %add3A_191 = arith.constant 3072 : i32
      %add3A_192 = arith.addi %add3A_191, %mul3A_190 : i32
      %dma_start3A_193 = arith.constant 0 : i32
      %dma_start3A_194 = tpu.memref_slice %arg11[%add3A_192, %dma_start3A_193] : memref<6144x8xf32, #tpu.memory_space<vmem>> -> memref<128x8xf32, #tpu.memory_space<vmem>>
      %dma_start3A_195 = arith.constant 0 : i32
      %dma_start3A_196 = tpu.memref_slice %arg9[%add3A_188, %dma_start3A_195] : memref<48x128xi32, #tpu.memory_space<vmem>> -> memref<1x128xi32, #tpu.memory_space<vmem>>
      %dma_start3A_197 = tpu.memref_squeeze %dma_start3A_196 : memref<1x128xi32, #tpu.memory_space<vmem>> -> memref<128xi32, #tpu.memory_space<vmem>>
      %dma_start3A_198 = arith.constant 0 : i32
      %dma_start3A_199 = arith.constant 0 : i32
      %dma_start3A_200 = tpu.memref_slice %arg7[%dma_start3A_198, %dma_start3A_199] : memref<100000x8xf32, #tpu.memory_space<vmem_shared>> -> memref<100000x8xf32, #tpu.memory_space<vmem_shared>>
      tpu.enqueue_indirect_dma source(%dma_start3A_200 : memref<100000x8xf32, #tpu.memory_space<vmem_shared>>) target(%dma_start3A_194 : memref<128x8xf32, #tpu.memory_space<vmem>>) offsets(%dma_start3A_197 : memref<128xi32, #tpu.memory_space<vmem>>) semaphore(%arg15 : memref<!tpu.dma_semaphore, #tpu.memory_space<semaphore_mem>>)
      %scan3A_201 = arith.constant 0 : i32
      scf.yield %scan3A_201 : i32
    }
    %scan3A_128 = arith.constant 24 : i32
    %add3A_129 = arith.constant 32 : i32
    %add3A_130 = arith.addi %and3A, %add3A_129 : i32
    %min3A_131 = arith.constant 32744 : i32
    %min3A_132 = arith.minsi %add3A_130, %min3A_131 : i32
    %multiple_of3A_133 = tpu.assume_multiple %min3A_132, 8 : i32
    %dma_start3A_134 = arith.constant 0 : i32
    %dma_start3A_135 = arith.constant 0 : i32
    %dma_start3A_136 = tpu.memref_slice %arg9[%dma_start3A_134, %dma_start3A_135] : memref<48x128xi32, #tpu.memory_space<vmem>> -> memref<24x128xi32, #tpu.memory_space<vmem>>
    %dma_start3A_137 = arith.constant 0 : i32
    %dma_start3A_138 = tpu.memref_slice %arg3[%multiple_of3A_133, %dma_start3A_137] : memref<32768x128xi32, #tpu.memory_space<hbm>> -> memref<24x128xi32, #tpu.memory_space<hbm>>
    %dma_start3A_139 = arith.constant 0 : i32
    %dma_start3A_140 = arith.constant 0 : i32
    %dma_start3A_141 = tpu.memref_slice %arg9[%dma_start3A_139, %dma_start3A_140] : memref<48x128xi32, #tpu.memory_space<vmem>> -> memref<24x128xi32, #tpu.memory_space<vmem>>
    %dma_start3A_142 = arith.constant 0 : i32
    %dma_start3A_143 = tpu.memref_slice %arg3[%multiple_of3A_133, %dma_start3A_142] : memref<32768x128xi32, #tpu.memory_space<hbm>> -> memref<24x128xi32, #tpu.memory_space<hbm>>
    tpu.enqueue_dma source(%dma_start3A_143 : memref<24x128xi32, #tpu.memory_space<hbm>>) target(%dma_start3A_141 : memref<24x128xi32, #tpu.memory_space<vmem>>) target_semaphore(%arg13 : memref<!tpu.dma_semaphore, #tpu.memory_space<semaphore_mem>>)
    %scan3A_144 = arith.constant 0 : i32
    %scan3A_145 = arith.constant 0 : i32
    %scan3A_146 = arith.constant 2048 : i32
    %scan3A_147 = arith.addi %scan3A_145, %scan3A_146 : i32
    %scan3A_148 = arith.constant 1 : i32
    %scan3A_149:2 = scf.for %scan3A_185 = %scan3A_145 to %scan3A_147 step %scan3A_148 iter_args(%scan3A_186 = %scan3A_144, %scan3A_187 = %squeeze3A) -> (i32, i32)  : i32 {
      %add3A_188 = arith.constant 1 : i32
      %add3A_189 = arith.addi %scan3A_185, %add3A_188 : i32
      %get3A_190 = arith.index_cast %add3A_189 : i32 to index
      %get3A_191 = tpu.vector_load %arg8[%get3A_190] {strides = array<i32>} : memref<2080xi32, #tpu.memory_space<vmem>>, vector<16xi32>,
      %slice3A_192 = vector.extract_strided_slice %get3A_191 {offsets = [0], sizes = [1], strides = [1]} : vector<16xi32> to vector<1xi32>
      %squeeze3A_193 = vector.extract %slice3A_192[0] : i32 from vector<1xi32>
      %sub3A = arith.subi %squeeze3A_193, %scan3A_187 : i32
      %shift_right_arithmetic3A_194 = arith.constant 4 : i32
      %shift_right_arithmetic3A_195 = arith.shrsi %sub3A, %shift_right_arithmetic3A_194 : i32
      %and3A_196 = arith.constant 15 : i32
      %and3A_197 = arith.andi %sub3A, %and3A_196 : i32
      %add3A_198 = arith.constant 63 : i32
      %add3A_199 = arith.addi %shift_right_arithmetic3A_195, %add3A_198 : i32
      %shift_right_arithmetic3A_200 = arith.constant 6 : i32
      %shift_right_arithmetic3A_201 = arith.shrsi %add3A_199, %shift_right_arithmetic3A_200 : i32
      %while3A = arith.constant 0 : i32
      %while3A_202 = arith.subi %shift_right_arithmetic3A_201, %while3A : i32
      %while3A_203 = arith.addi %while3A, %while3A_202 : i32
      %while3A_204 = arith.constant 1 : i32
      %while3A_205 = arith.divsi %while3A_202, %while3A_204 : i32
      %while3A_206 = arith.muli %while3A_205, %while3A_204 : i32
      %while3A_207 = arith.addi %while3A, %while3A_206 : i32
      %while3A_208 = arith.constant 1 : i32
      %while3A_209:4 = scf.for %while3A_311 = %while3A to %while3A_207 step %while3A_208 iter_args(%while3A_312 = %scan3A_186, %while3A_313 = %broadcast_in_dim3A_8, %while3A_314 = %broadcast_in_dim3A_8, %while3A_315 = %broadcast_in_dim3A_8) -> (i32, vector<16xf32>, vector<16xf32>, vector<16xf32>)  : i32 {
        %shift_left3A_316 = arith.constant 10 : i32
        %shift_left3A_317 = arith.shli %while3A_311, %shift_left3A_316 : i32
        %add3A_318 = arith.addi %scan3A_187, %shift_left3A_317 : i32
        %shift_left3A_319 = arith.constant 6 : i32
        %shift_left3A_320 = arith.shli %while3A_311, %shift_left3A_319 : i32
        %sub3A_321 = arith.subi %shift_right_arithmetic3A_195, %shift_left3A_320 : i32
        %min3A_322 = arith.constant 64 : i32
        %min3A_323 = arith.minsi %sub3A_321, %min3A_322 : i32
        %shift_left3A_324 = arith.constant 4 : i32
        %shift_left3A_325 = arith.shli %min3A_323, %shift_left3A_324 : i32
        %add3A_326 = arith.addi %add3A_318, %shift_left3A_325 : i32
        %mul3A_327 = arith.constant 16 : i32
        %mul3A_328 = arith.muli %while3A_312, %mul3A_327 : i32
        %add3A_329 = arith.addi %and3A, %mul3A_328 : i32
        %min3A_330 = arith.constant 32744 : i32
        %min3A_331 = arith.minsi %add3A_329, %min3A_330 : i32
        %multiple_of3A_332 = tpu.assume_multiple %min3A_331, 8 : i32
        %mul3A_333 = arith.constant 128 : i32
        %mul3A_334 = arith.muli %multiple_of3A_332, %mul3A_333 : i32
        %add3A_335 = arith.constant 3072 : i32
        %add3A_336 = arith.addi %mul3A_334, %add3A_335 : i32
        %gt3A_337 = arith.cmpi sgt, %add3A_326, %add3A_336 : i32
        %convert_element_type3A_338 = arith.extui %gt3A_337 : i1 to i32
        %cond3A_339 = arith.constant 0 : i32
        %cond3A_340 = arith.cmpi ne, %convert_element_type3A_338, %cond3A_339 : i32
        scf.if %cond3A_340 {
          %dma_wait3A_371 = arith.constant 0 : i32
          %dma_wait3A_372 = arith.constant 0 : i32
          %dma_wait3A_373 = arith.constant 0 : i32
          %dma_wait3A_374 = tpu.memref_slice %arg11[%dma_wait3A_372, %dma_wait3A_373] : memref<6144x8xf32, #tpu.memory_space<vmem>> -> memref<3072x8xf32, #tpu.memory_space<vmem>>
          %dma_wait3A_375 = arith.constant 0 : i32
          %dma_wait3A_376 = tpu.memref_slice %arg9[%dma_wait3A_371, %dma_wait3A_375] : memref<48x128xi32, #tpu.memory_space<vmem>> -> memref<1x128xi32, #tpu.memory_space<vmem>>
          %dma_wait3A_377 = tpu.memref_squeeze %dma_wait3A_376 : memref<1x128xi32, #tpu.memory_space<vmem>> -> memref<128xi32, #tpu.memory_space<vmem>>
          %dma_wait3A_378 = arith.constant 0 : i32
          %dma_wait3A_379 = arith.constant 0 : i32
          %dma_wait3A_380 = tpu.memref_slice %arg2[%dma_wait3A_378, %dma_wait3A_379] : memref<100000x8xf32, #tpu.memory_space<hbm>> -> memref<100000x8xf32, #tpu.memory_space<hbm>>
          tpu.wait_indirect_dma semaphore(%arg15 : memref<!tpu.dma_semaphore, #tpu.memory_space<semaphore_mem>>) src(%dma_wait3A_380 : memref<100000x8xf32, #tpu.memory_space<hbm>>) dst(%dma_wait3A_374 : memref<3072x8xf32, #tpu.memory_space<vmem>>)
          %dma_wait3A_381 = arith.constant 0 : i32
          %dma_wait3A_382 = tpu.memref_slice %arg10[%dma_wait3A_381] : memref<6144xf32, #tpu.memory_space<vmem>> -> memref<3072xf32, #tpu.memory_space<vmem>>
          %dma_wait3A_383 = arith.constant 0 : i32
          %dma_wait3A_384 = tpu.memref_slice %arg4[%dma_wait3A_383] : memref<4194304xf32, #tpu.memory_space<hbm>> -> memref<3072xf32, #tpu.memory_space<hbm>>
          %dma_wait3A_385 = arith.constant 0 : i32
          %dma_wait3A_386 = tpu.memref_slice %arg10[%dma_wait3A_385] : memref<6144xf32, #tpu.memory_space<vmem>> -> memref<3072xf32, #tpu.memory_space<vmem>>
          %dma_wait3A_387 = arith.constant 0 : i32
          %dma_wait3A_388 = tpu.memref_slice %arg4[%dma_wait3A_387] : memref<4194304xf32, #tpu.memory_space<hbm>> -> memref<3072xf32, #tpu.memory_space<hbm>>
          tpu.wait_dma2 semaphore(%arg14 : memref<!tpu.dma_semaphore, #tpu.memory_space<semaphore_mem>>) src(%dma_wait3A_388 : memref<3072xf32, #tpu.memory_space<hbm>>) dst(%dma_wait3A_386 : memref<3072xf32, #tpu.memory_space<vmem>>)
          %dma_wait3A_389 = arith.constant 0 : i32
          %dma_wait3A_390 = arith.constant 0 : i32
          %dma_wait3A_391 = tpu.memref_slice %arg9[%dma_wait3A_389, %dma_wait3A_390] : memref<48x128xi32, #tpu.memory_space<vmem>> -> memref<24x128xi32, #tpu.memory_space<vmem>>
          %dma_wait3A_392 = arith.constant 0 : i32
          %dma_wait3A_393 = arith.constant 0 : i32
          %dma_wait3A_394 = tpu.memref_slice %arg3[%dma_wait3A_392, %dma_wait3A_393] : memref<32768x128xi32, #tpu.memory_space<hbm>> -> memref<24x128xi32, #tpu.memory_space<hbm>>
          %dma_wait3A_395 = arith.constant 0 : i32
          %dma_wait3A_396 = arith.constant 0 : i32
          %dma_wait3A_397 = tpu.memref_slice %arg9[%dma_wait3A_395, %dma_wait3A_396] : memref<48x128xi32, #tpu.memory_space<vmem>> -> memref<24x128xi32, #tpu.memory_space<vmem>>
          %dma_wait3A_398 = arith.constant 0 : i32
          %dma_wait3A_399 = arith.constant 0 : i32
          %dma_wait3A_400 = tpu.memref_slice %arg3[%dma_wait3A_398, %dma_wait3A_399] : memref<32768x128xi32, #tpu.memory_space<hbm>> -> memref<24x128xi32, #tpu.memory_space<hbm>>
          tpu.wait_dma2 semaphore(%arg13 : memref<!tpu.dma_semaphore, #tpu.memory_space<semaphore_mem>>) src(%dma_wait3A_400 : memref<24x128xi32, #tpu.memory_space<hbm>>) dst(%dma_wait3A_397 : memref<24x128xi32, #tpu.memory_space<vmem>>)
          %add3A_401 = arith.constant 2 : i32
          %add3A_402 = arith.addi %while3A_312, %add3A_401 : i32
          %and3A_403 = arith.constant 1 : i32
          %and3A_404 = arith.andi %add3A_402, %and3A_403 : i32
          %mul3A_405 = arith.constant 16 : i32
          %mul3A_406 = arith.muli %add3A_402, %mul3A_405 : i32
          %add3A_407 = arith.addi %and3A, %mul3A_406 : i32
          %min3A_408 = arith.constant 32744 : i32
          %min3A_409 = arith.minsi %add3A_407, %min3A_408 : i32
          %multiple_of3A_410 = tpu.assume_multiple %min3A_409, 8 : i32
          %mul3A_411 = arith.constant 128 : i32
          %mul3A_412 = arith.muli %multiple_of3A_410, %mul3A_411 : i32
          %mul3A_413 = arith.constant 3072 : i32
          %mul3A_414 = arith.muli %and3A_404, %mul3A_413 : i32
          %dma_start3A_415 = tpu.memref_slice %arg10[%mul3A_414] : memref<6144xf32, #tpu.memory_space<vmem>> -> memref<3072xf32, #tpu.memory_space<vmem>>
          %dma_start3A_416 = tpu.memref_slice %arg4[%mul3A_412] : memref<4194304xf32, #tpu.memory_space<hbm>> -> memref<3072xf32, #tpu.memory_space<hbm>>
          %dma_start3A_417 = tpu.memref_slice %arg10[%mul3A_414] : memref<6144xf32, #tpu.memory_space<vmem>> -> memref<3072xf32, #tpu.memory_space<vmem>>
          %dma_start3A_418 = tpu.memref_slice %arg4[%mul3A_412] : memref<4194304xf32, #tpu.memory_space<hbm>> -> memref<3072xf32, #tpu.memory_space<hbm>>
          tpu.enqueue_dma source(%dma_start3A_418 : memref<3072xf32, #tpu.memory_space<hbm>>) target(%dma_start3A_417 : memref<3072xf32, #tpu.memory_space<vmem>>) target_semaphore(%arg14 : memref<!tpu.dma_semaphore, #tpu.memory_space<semaphore_mem>>)
          %scan3A_419 = arith.constant 0 : i32
          %scan3A_420 = arith.constant 0 : i32
          %scan3A_421 = arith.constant 24 : i32
          %scan3A_422 = arith.addi %scan3A_420, %scan3A_421 : i32
          %scan3A_423 = arith.constant 1 : i32
          %scan3A_424 = scf.for %scan3A_446 = %scan3A_420 to %scan3A_422 step %scan3A_423 iter_args(%scan3A_447 = %scan3A_419) -> (i32)  : i32 {
            %mul3A_448 = arith.constant 24 : i32
            %mul3A_449 = arith.muli %and3A_404, %mul3A_448 : i32
            %add3A_450 = arith.addi %mul3A_449, %scan3A_446 : i32
            %mul3A_451 = arith.constant 3072 : i32
            %mul3A_452 = arith.muli %and3A_404, %mul3A_451 : i32
            %mul3A_453 = arith.constant 128 : i32
            %mul3A_454 = arith.muli %scan3A_446, %mul3A_453 : i32
            %add3A_455 = arith.addi %mul3A_452, %mul3A_454 : i32
            %dma_start3A_456 = arith.constant 0 : i32
            %dma_start3A_457 = tpu.memref_slice %arg11[%add3A_455, %dma_start3A_456] : memref<6144x8xf32, #tpu.memory_space<vmem>> -> memref<128x8xf32, #tpu.memory_space<vmem>>
            %dma_start3A_458 = arith.constant 0 : i32
            %dma_start3A_459 = tpu.memref_slice %arg9[%add3A_450, %dma_start3A_458] : memref<48x128xi32, #tpu.memory_space<vmem>> -> memref<1x128xi32, #tpu.memory_space<vmem>>
            %dma_start3A_460 = tpu.memref_squeeze %dma_start3A_459 : memref<1x128xi32, #tpu.memory_space<vmem>> -> memref<128xi32, #tpu.memory_space<vmem>>
            %dma_start3A_461 = arith.constant 0 : i32
            %dma_start3A_462 = arith.constant 0 : i32
            %dma_start3A_463 = tpu.memref_slice %arg7[%dma_start3A_461, %dma_start3A_462] : memref<100000x8xf32, #tpu.memory_space<vmem_shared>> -> memref<100000x8xf32, #tpu.memory_space<vmem_shared>>
            tpu.enqueue_indirect_dma source(%dma_start3A_463 : memref<100000x8xf32, #tpu.memory_space<vmem_shared>>) target(%dma_start3A_457 : memref<128x8xf32, #tpu.memory_space<vmem>>) offsets(%dma_start3A_460 : memref<128xi32, #tpu.memory_space<vmem>>) semaphore(%arg15 : memref<!tpu.dma_semaphore, #tpu.memory_space<semaphore_mem>>)
            %scan3A_464 = arith.constant 0 : i32
            scf.yield %scan3A_464 : i32
          }
          %scan3A_425 = arith.constant 24 : i32
          %add3A_426 = arith.constant 3 : i32
          %add3A_427 = arith.addi %while3A_312, %add3A_426 : i32
          %and3A_428 = arith.constant 1 : i32
          %and3A_429 = arith.andi %add3A_427, %and3A_428 : i32
          %mul3A_430 = arith.constant 16 : i32
          %mul3A_431 = arith.muli %add3A_427, %mul3A_430 : i32
          %add3A_432 = arith.addi %and3A, %mul3A_431 : i32
          %min3A_433 = arith.constant 32744 : i32
          %min3A_434 = arith.minsi %add3A_432, %min3A_433 : i32
          %multiple_of3A_435 = tpu.assume_multiple %min3A_434, 8 : i32
          %mul3A_436 = arith.constant 24 : i32
          %mul3A_437 = arith.muli %and3A_429, %mul3A_436 : i32
          %dma_start3A_438 = arith.constant 0 : i32
          %dma_start3A_439 = tpu.memref_slice %arg9[%mul3A_437, %dma_start3A_438] : memref<48x128xi32, #tpu.memory_space<vmem>> -> memref<24x128xi32, #tpu.memory_space<vmem>>
          %dma_start3A_440 = arith.constant 0 : i32
          %dma_start3A_441 = tpu.memref_slice %arg3[%multiple_of3A_435, %dma_start3A_440] : memref<32768x128xi32, #tpu.memory_space<hbm>> -> memref<24x128xi32, #tpu.memory_space<hbm>>
          %dma_start3A_442 = arith.constant 0 : i32
          %dma_start3A_443 = tpu.memref_slice %arg9[%mul3A_437, %dma_start3A_442] : memref<48x128xi32, #tpu.memory_space<vmem>> -> memref<24x128xi32, #tpu.memory_space<vmem>>
          %dma_start3A_444 = arith.constant 0 : i32
          %dma_start3A_445 = tpu.memref_slice %arg3[%multiple_of3A_435, %dma_start3A_444] : memref<32768x128xi32, #tpu.memory_space<hbm>> -> memref<24x128xi32, #tpu.memory_space<hbm>>
          tpu.enqueue_dma source(%dma_start3A_445 : memref<24x128xi32, #tpu.memory_space<hbm>>) target(%dma_start3A_443 : memref<24x128xi32, #tpu.memory_space<vmem>>) target_semaphore(%arg13 : memref<!tpu.dma_semaphore, #tpu.memory_space<semaphore_mem>>)
        } else {
        }
        %add3A_341 = arith.constant 1 : i32
        %add3A_342 = arith.addi %while3A_312, %add3A_341 : i32
        %select_n3A_343 = arith.select %gt3A_337, %add3A_342, %while3A_312 : i32
        %mul3A_344 = arith.constant 16 : i32
        %mul3A_345 = arith.muli %select_n3A_343, %mul3A_344 : i32
        %add3A_346 = arith.addi %and3A, %mul3A_345 : i32
        %min3A_347 = arith.constant 32744 : i32
        %min3A_348 = arith.minsi %add3A_346, %min3A_347 : i32
        %multiple_of3A_349 = tpu.assume_multiple %min3A_348, 8 : i32
        %mul3A_350 = arith.constant 128 : i32
        %mul3A_351 = arith.muli %multiple_of3A_349, %mul3A_350 : i32
        %sub3A_352 = arith.subi %add3A_318, %mul3A_351 : i32
        %and3A_353 = arith.constant 1 : i32
        %and3A_354 = arith.andi %select_n3A_343, %and3A_353 : i32
        %mul3A_355 = arith.constant 3072 : i32
        %mul3A_356 = arith.muli %and3A_354, %mul3A_355 : i32
        %add3A_357 = arith.addi %sub3A_352, %mul3A_356 : i32
        %add3A_358 = vector.broadcast %add3A_357 : i32 to vector<16xi32>
        %add3A_359 = arith.addi %add3A_358, %iota3A : vector<16xi32>
        %while3A_360 = arith.constant 0 : i32
        %while3A_361 = arith.subi %min3A_323, %while3A_360 : i32
        %while3A_362 = arith.addi %while3A_360, %while3A_361 : i32
        %while3A_363 = arith.constant 1 : i32
        %while3A_364 = arith.divsi %while3A_361, %while3A_363 : i32
        %while3A_365 = arith.muli %while3A_364, %while3A_363 : i32
        %while3A_366 = arith.addi %while3A_360, %while3A_365 : i32
        %while3A_367 = arith.constant 1 : i32
        %while3A_368:4 = scf.for %while3A_371 = %while3A_360 to %while3A_366 step %while3A_367 iter_args(%while3A_372 = %while3A_313, %while3A_373 = %while3A_314, %while3A_374 = %while3A_315, %while3A_375 = %add3A_359) -> (vector<16xf32>, vector<16xf32>, vector<16xf32>, vector<16xi32>)  : i32 {
          %gather3A_376 = tpu.vector_load_idx %arg10[%while3A_375] : memref<6144xf32, #tpu.memory_space<vmem>>[vector<16xi32>], vector<16xf32>,
          %gather3A_377 = tpu.vector_load_idx %arg11[%while3A_375, %broadcast_in_dim3A_4] : memref<6144x8xf32, #tpu.memory_space<vmem>>[vector<16xi32>, vector<16xi32>], vector<16xf32>,
          %gather3A_378 = tpu.vector_load_idx %arg11[%while3A_375, %broadcast_in_dim3A_0] : memref<6144x8xf32, #tpu.memory_space<vmem>>[vector<16xi32>, vector<16xi32>], vector<16xf32>,
          %gather3A_379 = tpu.vector_load_idx %arg11[%while3A_375, %broadcast_in_dim3A_2] : memref<6144x8xf32, #tpu.memory_space<vmem>>[vector<16xi32>, vector<16xi32>], vector<16xf32>,
          %mul3A_380 = arith.mulf %gather3A_376, %gather3A_377 : vector<16xf32>
          %add3A_381 = arith.addf %while3A_372, %mul3A_380 : vector<16xf32>
          %mul3A_382 = arith.mulf %gather3A_376, %gather3A_378 : vector<16xf32>
          %add3A_383 = arith.addf %while3A_373, %mul3A_382 : vector<16xf32>
          %mul3A_384 = arith.mulf %gather3A_376, %gather3A_379 : vector<16xf32>
          %add3A_385 = arith.addf %while3A_374, %mul3A_384 : vector<16xf32>
          %add3A_386 = arith.constant 16 : i32
          %add3A_387 = vector.broadcast %add3A_386 : i32 to vector<16xi32>
          %add3A_388 = arith.addi %while3A_375, %add3A_387 : vector<16xi32>
          scf.yield %add3A_381, %add3A_383, %add3A_385, %add3A_388 : vector<16xf32>, vector<16xf32>, vector<16xf32>, vector<16xi32>
        }
        %while3A_369 = arith.constant 1 : i32
        %while3A_370:4 = scf.for %while3A_371 = %while3A_366 to %while3A_362 step %while3A_369 iter_args(%while3A_372 = %while3A_368#0, %while3A_373 = %while3A_368#1, %while3A_374 = %while3A_368#2, %while3A_375 = %while3A_368#3) -> (vector<16xf32>, vector<16xf32>, vector<16xf32>, vector<16xi32>)  : i32 {
          %gather3A_376 = tpu.vector_load_idx %arg10[%while3A_375] : memref<6144xf32, #tpu.memory_space<vmem>>[vector<16xi32>], vector<16xf32>,
          %gather3A_377 = tpu.vector_load_idx %arg11[%while3A_375, %broadcast_in_dim3A_4] : memref<6144x8xf32, #tpu.memory_space<vmem>>[vector<16xi32>, vector<16xi32>], vector<16xf32>,
          %gather3A_378 = tpu.vector_load_idx %arg11[%while3A_375, %broadcast_in_dim3A_0] : memref<6144x8xf32, #tpu.memory_space<vmem>>[vector<16xi32>, vector<16xi32>], vector<16xf32>,
          %gather3A_379 = tpu.vector_load_idx %arg11[%while3A_375, %broadcast_in_dim3A_2] : memref<6144x8xf32, #tpu.memory_space<vmem>>[vector<16xi32>, vector<16xi32>], vector<16xf32>,
          %mul3A_380 = arith.mulf %gather3A_376, %gather3A_377 : vector<16xf32>
          %add3A_381 = arith.addf %while3A_372, %mul3A_380 : vector<16xf32>
          %mul3A_382 = arith.mulf %gather3A_376, %gather3A_378 : vector<16xf32>
          %add3A_383 = arith.addf %while3A_373, %mul3A_382 : vector<16xf32>
          %mul3A_384 = arith.mulf %gather3A_376, %gather3A_379 : vector<16xf32>
          %add3A_385 = arith.addf %while3A_374, %mul3A_384 : vector<16xf32>
          %add3A_386 = arith.constant 16 : i32
          %add3A_387 = vector.broadcast %add3A_386 : i32 to vector<16xi32>
          %add3A_388 = arith.addi %while3A_375, %add3A_387 : vector<16xi32>
          scf.yield %add3A_381, %add3A_383, %add3A_385, %add3A_388 : vector<16xf32>, vector<16xf32>, vector<16xf32>, vector<16xi32>
        }
        scf.yield %select_n3A_343, %while3A_370#0, %while3A_370#1, %while3A_370#2 : i32, vector<16xf32>, vector<16xf32>, vector<16xf32>
      }
      %while3A_210 = arith.constant 1 : i32
      %while3A_211:4 = scf.for %while3A_311 = %while3A_207 to %while3A_203 step %while3A_210 iter_args(%while3A_312 = %while3A_209#0, %while3A_313 = %while3A_209#1, %while3A_314 = %while3A_209#2, %while3A_315 = %while3A_209#3) -> (i32, vector<16xf32>, vector<16xf32>, vector<16xf32>)  : i32 {
        %shift_left3A_316 = arith.constant 10 : i32
        %shift_left3A_317 = arith.shli %while3A_311, %shift_left3A_316 : i32
        %add3A_318 = arith.addi %scan3A_187, %shift_left3A_317 : i32
        %shift_left3A_319 = arith.constant 6 : i32
        %shift_left3A_320 = arith.shli %while3A_311, %shift_left3A_319 : i32
        %sub3A_321 = arith.subi %shift_right_arithmetic3A_195, %shift_left3A_320 : i32
        %min3A_322 = arith.constant 64 : i32
        %min3A_323 = arith.minsi %sub3A_321, %min3A_322 : i32
        %shift_left3A_324 = arith.constant 4 : i32
        %shift_left3A_325 = arith.shli %min3A_323, %shift_left3A_324 : i32
        %add3A_326 = arith.addi %add3A_318, %shift_left3A_325 : i32
        %mul3A_327 = arith.constant 16 : i32
        %mul3A_328 = arith.muli %while3A_312, %mul3A_327 : i32
        %add3A_329 = arith.addi %and3A, %mul3A_328 : i32
        %min3A_330 = arith.constant 32744 : i32
        %min3A_331 = arith.minsi %add3A_329, %min3A_330 : i32
        %multiple_of3A_332 = tpu.assume_multiple %min3A_331, 8 : i32
        %mul3A_333 = arith.constant 128 : i32
        %mul3A_334 = arith.muli %multiple_of3A_332, %mul3A_333 : i32
        %add3A_335 = arith.constant 3072 : i32
        %add3A_336 = arith.addi %mul3A_334, %add3A_335 : i32
        %gt3A_337 = arith.cmpi sgt, %add3A_326, %add3A_336 : i32
        %convert_element_type3A_338 = arith.extui %gt3A_337 : i1 to i32
        %cond3A_339 = arith.constant 0 : i32
        %cond3A_340 = arith.cmpi ne, %convert_element_type3A_338, %cond3A_339 : i32
        scf.if %cond3A_340 {
          %dma_wait3A_371 = arith.constant 0 : i32
          %dma_wait3A_372 = arith.constant 0 : i32
          %dma_wait3A_373 = arith.constant 0 : i32
          %dma_wait3A_374 = tpu.memref_slice %arg11[%dma_wait3A_372, %dma_wait3A_373] : memref<6144x8xf32, #tpu.memory_space<vmem>> -> memref<3072x8xf32, #tpu.memory_space<vmem>>
          %dma_wait3A_375 = arith.constant 0 : i32
          %dma_wait3A_376 = tpu.memref_slice %arg9[%dma_wait3A_371, %dma_wait3A_375] : memref<48x128xi32, #tpu.memory_space<vmem>> -> memref<1x128xi32, #tpu.memory_space<vmem>>
          %dma_wait3A_377 = tpu.memref_squeeze %dma_wait3A_376 : memref<1x128xi32, #tpu.memory_space<vmem>> -> memref<128xi32, #tpu.memory_space<vmem>>
          %dma_wait3A_378 = arith.constant 0 : i32
          %dma_wait3A_379 = arith.constant 0 : i32
          %dma_wait3A_380 = tpu.memref_slice %arg2[%dma_wait3A_378, %dma_wait3A_379] : memref<100000x8xf32, #tpu.memory_space<hbm>> -> memref<100000x8xf32, #tpu.memory_space<hbm>>
          tpu.wait_indirect_dma semaphore(%arg15 : memref<!tpu.dma_semaphore, #tpu.memory_space<semaphore_mem>>) src(%dma_wait3A_380 : memref<100000x8xf32, #tpu.memory_space<hbm>>) dst(%dma_wait3A_374 : memref<3072x8xf32, #tpu.memory_space<vmem>>)
          %dma_wait3A_381 = arith.constant 0 : i32
          %dma_wait3A_382 = tpu.memref_slice %arg10[%dma_wait3A_381] : memref<6144xf32, #tpu.memory_space<vmem>> -> memref<3072xf32, #tpu.memory_space<vmem>>
          %dma_wait3A_383 = arith.constant 0 : i32
          %dma_wait3A_384 = tpu.memref_slice %arg4[%dma_wait3A_383] : memref<4194304xf32, #tpu.memory_space<hbm>> -> memref<3072xf32, #tpu.memory_space<hbm>>
          %dma_wait3A_385 = arith.constant 0 : i32
          %dma_wait3A_386 = tpu.memref_slice %arg10[%dma_wait3A_385] : memref<6144xf32, #tpu.memory_space<vmem>> -> memref<3072xf32, #tpu.memory_space<vmem>>
          %dma_wait3A_387 = arith.constant 0 : i32
          %dma_wait3A_388 = tpu.memref_slice %arg4[%dma_wait3A_387] : memref<4194304xf32, #tpu.memory_space<hbm>> -> memref<3072xf32, #tpu.memory_space<hbm>>
          tpu.wait_dma2 semaphore(%arg14 : memref<!tpu.dma_semaphore, #tpu.memory_space<semaphore_mem>>) src(%dma_wait3A_388 : memref<3072xf32, #tpu.memory_space<hbm>>) dst(%dma_wait3A_386 : memref<3072xf32, #tpu.memory_space<vmem>>)
          %dma_wait3A_389 = arith.constant 0 : i32
          %dma_wait3A_390 = arith.constant 0 : i32
          %dma_wait3A_391 = tpu.memref_slice %arg9[%dma_wait3A_389, %dma_wait3A_390] : memref<48x128xi32, #tpu.memory_space<vmem>> -> memref<24x128xi32, #tpu.memory_space<vmem>>
          %dma_wait3A_392 = arith.constant 0 : i32
          %dma_wait3A_393 = arith.constant 0 : i32
          %dma_wait3A_394 = tpu.memref_slice %arg3[%dma_wait3A_392, %dma_wait3A_393] : memref<32768x128xi32, #tpu.memory_space<hbm>> -> memref<24x128xi32, #tpu.memory_space<hbm>>
          %dma_wait3A_395 = arith.constant 0 : i32
          %dma_wait3A_396 = arith.constant 0 : i32
          %dma_wait3A_397 = tpu.memref_slice %arg9[%dma_wait3A_395, %dma_wait3A_396] : memref<48x128xi32, #tpu.memory_space<vmem>> -> memref<24x128xi32, #tpu.memory_space<vmem>>
          %dma_wait3A_398 = arith.constant 0 : i32
          %dma_wait3A_399 = arith.constant 0 : i32
          %dma_wait3A_400 = tpu.memref_slice %arg3[%dma_wait3A_398, %dma_wait3A_399] : memref<32768x128xi32, #tpu.memory_space<hbm>> -> memref<24x128xi32, #tpu.memory_space<hbm>>
          tpu.wait_dma2 semaphore(%arg13 : memref<!tpu.dma_semaphore, #tpu.memory_space<semaphore_mem>>) src(%dma_wait3A_400 : memref<24x128xi32, #tpu.memory_space<hbm>>) dst(%dma_wait3A_397 : memref<24x128xi32, #tpu.memory_space<vmem>>)
          %add3A_401 = arith.constant 2 : i32
          %add3A_402 = arith.addi %while3A_312, %add3A_401 : i32
          %and3A_403 = arith.constant 1 : i32
          %and3A_404 = arith.andi %add3A_402, %and3A_403 : i32
          %mul3A_405 = arith.constant 16 : i32
          %mul3A_406 = arith.muli %add3A_402, %mul3A_405 : i32
          %add3A_407 = arith.addi %and3A, %mul3A_406 : i32
          %min3A_408 = arith.constant 32744 : i32
          %min3A_409 = arith.minsi %add3A_407, %min3A_408 : i32
          %multiple_of3A_410 = tpu.assume_multiple %min3A_409, 8 : i32
          %mul3A_411 = arith.constant 128 : i32
          %mul3A_412 = arith.muli %multiple_of3A_410, %mul3A_411 : i32
          %mul3A_413 = arith.constant 3072 : i32
          %mul3A_414 = arith.muli %and3A_404, %mul3A_413 : i32
          %dma_start3A_415 = tpu.memref_slice %arg10[%mul3A_414] : memref<6144xf32, #tpu.memory_space<vmem>> -> memref<3072xf32, #tpu.memory_space<vmem>>
          %dma_start3A_416 = tpu.memref_slice %arg4[%mul3A_412] : memref<4194304xf32, #tpu.memory_space<hbm>> -> memref<3072xf32, #tpu.memory_space<hbm>>
          %dma_start3A_417 = tpu.memref_slice %arg10[%mul3A_414] : memref<6144xf32, #tpu.memory_space<vmem>> -> memref<3072xf32, #tpu.memory_space<vmem>>
          %dma_start3A_418 = tpu.memref_slice %arg4[%mul3A_412] : memref<4194304xf32, #tpu.memory_space<hbm>> -> memref<3072xf32, #tpu.memory_space<hbm>>
          tpu.enqueue_dma source(%dma_start3A_418 : memref<3072xf32, #tpu.memory_space<hbm>>) target(%dma_start3A_417 : memref<3072xf32, #tpu.memory_space<vmem>>) target_semaphore(%arg14 : memref<!tpu.dma_semaphore, #tpu.memory_space<semaphore_mem>>)
          %scan3A_419 = arith.constant 0 : i32
          %scan3A_420 = arith.constant 0 : i32
          %scan3A_421 = arith.constant 24 : i32
          %scan3A_422 = arith.addi %scan3A_420, %scan3A_421 : i32
          %scan3A_423 = arith.constant 1 : i32
          %scan3A_424 = scf.for %scan3A_446 = %scan3A_420 to %scan3A_422 step %scan3A_423 iter_args(%scan3A_447 = %scan3A_419) -> (i32)  : i32 {
            %mul3A_448 = arith.constant 24 : i32
            %mul3A_449 = arith.muli %and3A_404, %mul3A_448 : i32
            %add3A_450 = arith.addi %mul3A_449, %scan3A_446 : i32
            %mul3A_451 = arith.constant 3072 : i32
            %mul3A_452 = arith.muli %and3A_404, %mul3A_451 : i32
            %mul3A_453 = arith.constant 128 : i32
            %mul3A_454 = arith.muli %scan3A_446, %mul3A_453 : i32
            %add3A_455 = arith.addi %mul3A_452, %mul3A_454 : i32
            %dma_start3A_456 = arith.constant 0 : i32
            %dma_start3A_457 = tpu.memref_slice %arg11[%add3A_455, %dma_start3A_456] : memref<6144x8xf32, #tpu.memory_space<vmem>> -> memref<128x8xf32, #tpu.memory_space<vmem>>
            %dma_start3A_458 = arith.constant 0 : i32
            %dma_start3A_459 = tpu.memref_slice %arg9[%add3A_450, %dma_start3A_458] : memref<48x128xi32, #tpu.memory_space<vmem>> -> memref<1x128xi32, #tpu.memory_space<vmem>>
            %dma_start3A_460 = tpu.memref_squeeze %dma_start3A_459 : memref<1x128xi32, #tpu.memory_space<vmem>> -> memref<128xi32, #tpu.memory_space<vmem>>
            %dma_start3A_461 = arith.constant 0 : i32
            %dma_start3A_462 = arith.constant 0 : i32
            %dma_start3A_463 = tpu.memref_slice %arg7[%dma_start3A_461, %dma_start3A_462] : memref<100000x8xf32, #tpu.memory_space<vmem_shared>> -> memref<100000x8xf32, #tpu.memory_space<vmem_shared>>
            tpu.enqueue_indirect_dma source(%dma_start3A_463 : memref<100000x8xf32, #tpu.memory_space<vmem_shared>>) target(%dma_start3A_457 : memref<128x8xf32, #tpu.memory_space<vmem>>) offsets(%dma_start3A_460 : memref<128xi32, #tpu.memory_space<vmem>>) semaphore(%arg15 : memref<!tpu.dma_semaphore, #tpu.memory_space<semaphore_mem>>)
            %scan3A_464 = arith.constant 0 : i32
            scf.yield %scan3A_464 : i32
          }
          %scan3A_425 = arith.constant 24 : i32
          %add3A_426 = arith.constant 3 : i32
          %add3A_427 = arith.addi %while3A_312, %add3A_426 : i32
          %and3A_428 = arith.constant 1 : i32
          %and3A_429 = arith.andi %add3A_427, %and3A_428 : i32
          %mul3A_430 = arith.constant 16 : i32
          %mul3A_431 = arith.muli %add3A_427, %mul3A_430 : i32
          %add3A_432 = arith.addi %and3A, %mul3A_431 : i32
          %min3A_433 = arith.constant 32744 : i32
          %min3A_434 = arith.minsi %add3A_432, %min3A_433 : i32
          %multiple_of3A_435 = tpu.assume_multiple %min3A_434, 8 : i32
          %mul3A_436 = arith.constant 24 : i32
          %mul3A_437 = arith.muli %and3A_429, %mul3A_436 : i32
          %dma_start3A_438 = arith.constant 0 : i32
          %dma_start3A_439 = tpu.memref_slice %arg9[%mul3A_437, %dma_start3A_438] : memref<48x128xi32, #tpu.memory_space<vmem>> -> memref<24x128xi32, #tpu.memory_space<vmem>>
          %dma_start3A_440 = arith.constant 0 : i32
          %dma_start3A_441 = tpu.memref_slice %arg3[%multiple_of3A_435, %dma_start3A_440] : memref<32768x128xi32, #tpu.memory_space<hbm>> -> memref<24x128xi32, #tpu.memory_space<hbm>>
          %dma_start3A_442 = arith.constant 0 : i32
          %dma_start3A_443 = tpu.memref_slice %arg9[%mul3A_437, %dma_start3A_442] : memref<48x128xi32, #tpu.memory_space<vmem>> -> memref<24x128xi32, #tpu.memory_space<vmem>>
          %dma_start3A_444 = arith.constant 0 : i32
          %dma_start3A_445 = tpu.memref_slice %arg3[%multiple_of3A_435, %dma_start3A_444] : memref<32768x128xi32, #tpu.memory_space<hbm>> -> memref<24x128xi32, #tpu.memory_space<hbm>>
          tpu.enqueue_dma source(%dma_start3A_445 : memref<24x128xi32, #tpu.memory_space<hbm>>) target(%dma_start3A_443 : memref<24x128xi32, #tpu.memory_space<vmem>>) target_semaphore(%arg13 : memref<!tpu.dma_semaphore, #tpu.memory_space<semaphore_mem>>)
        } else {
        }
        %add3A_341 = arith.constant 1 : i32
        %add3A_342 = arith.addi %while3A_312, %add3A_341 : i32
        %select_n3A_343 = arith.select %gt3A_337, %add3A_342, %while3A_312 : i32
        %mul3A_344 = arith.constant 16 : i32
        %mul3A_345 = arith.muli %select_n3A_343, %mul3A_344 : i32
        %add3A_346 = arith.addi %and3A, %mul3A_345 : i32
        %min3A_347 = arith.constant 32744 : i32
        %min3A_348 = arith.minsi %add3A_346, %min3A_347 : i32
        %multiple_of3A_349 = tpu.assume_multiple %min3A_348, 8 : i32
        %mul3A_350 = arith.constant 128 : i32
        %mul3A_351 = arith.muli %multiple_of3A_349, %mul3A_350 : i32
        %sub3A_352 = arith.subi %add3A_318, %mul3A_351 : i32
        %and3A_353 = arith.constant 1 : i32
        %and3A_354 = arith.andi %select_n3A_343, %and3A_353 : i32
        %mul3A_355 = arith.constant 3072 : i32
        %mul3A_356 = arith.muli %and3A_354, %mul3A_355 : i32
        %add3A_357 = arith.addi %sub3A_352, %mul3A_356 : i32
        %add3A_358 = vector.broadcast %add3A_357 : i32 to vector<16xi32>
        %add3A_359 = arith.addi %add3A_358, %iota3A : vector<16xi32>
        %while3A_360 = arith.constant 0 : i32
        %while3A_361 = arith.subi %min3A_323, %while3A_360 : i32
        %while3A_362 = arith.addi %while3A_360, %while3A_361 : i32
        %while3A_363 = arith.constant 1 : i32
        %while3A_364 = arith.divsi %while3A_361, %while3A_363 : i32
        %while3A_365 = arith.muli %while3A_364, %while3A_363 : i32
        %while3A_366 = arith.addi %while3A_360, %while3A_365 : i32
        %while3A_367 = arith.constant 1 : i32
        %while3A_368:4 = scf.for %while3A_371 = %while3A_360 to %while3A_366 step %while3A_367 iter_args(%while3A_372 = %while3A_313, %while3A_373 = %while3A_314, %while3A_374 = %while3A_315, %while3A_375 = %add3A_359) -> (vector<16xf32>, vector<16xf32>, vector<16xf32>, vector<16xi32>)  : i32 {
          %gather3A_376 = tpu.vector_load_idx %arg10[%while3A_375] : memref<6144xf32, #tpu.memory_space<vmem>>[vector<16xi32>], vector<16xf32>,
          %gather3A_377 = tpu.vector_load_idx %arg11[%while3A_375, %broadcast_in_dim3A_4] : memref<6144x8xf32, #tpu.memory_space<vmem>>[vector<16xi32>, vector<16xi32>], vector<16xf32>,
          %gather3A_378 = tpu.vector_load_idx %arg11[%while3A_375, %broadcast_in_dim3A_0] : memref<6144x8xf32, #tpu.memory_space<vmem>>[vector<16xi32>, vector<16xi32>], vector<16xf32>,
          %gather3A_379 = tpu.vector_load_idx %arg11[%while3A_375, %broadcast_in_dim3A_2] : memref<6144x8xf32, #tpu.memory_space<vmem>>[vector<16xi32>, vector<16xi32>], vector<16xf32>,
          %mul3A_380 = arith.mulf %gather3A_376, %gather3A_377 : vector<16xf32>
          %add3A_381 = arith.addf %while3A_372, %mul3A_380 : vector<16xf32>
          %mul3A_382 = arith.mulf %gather3A_376, %gather3A_378 : vector<16xf32>
          %add3A_383 = arith.addf %while3A_373, %mul3A_382 : vector<16xf32>
          %mul3A_384 = arith.mulf %gather3A_376, %gather3A_379 : vector<16xf32>
          %add3A_385 = arith.addf %while3A_374, %mul3A_384 : vector<16xf32>
          %add3A_386 = arith.constant 16 : i32
          %add3A_387 = vector.broadcast %add3A_386 : i32 to vector<16xi32>
          %add3A_388 = arith.addi %while3A_375, %add3A_387 : vector<16xi32>
          scf.yield %add3A_381, %add3A_383, %add3A_385, %add3A_388 : vector<16xf32>, vector<16xf32>, vector<16xf32>, vector<16xi32>
        }
        %while3A_369 = arith.constant 1 : i32
        %while3A_370:4 = scf.for %while3A_371 = %while3A_366 to %while3A_362 step %while3A_369 iter_args(%while3A_372 = %while3A_368#0, %while3A_373 = %while3A_368#1, %while3A_374 = %while3A_368#2, %while3A_375 = %while3A_368#3) -> (vector<16xf32>, vector<16xf32>, vector<16xf32>, vector<16xi32>)  : i32 {
          %gather3A_376 = tpu.vector_load_idx %arg10[%while3A_375] : memref<6144xf32, #tpu.memory_space<vmem>>[vector<16xi32>], vector<16xf32>,
          %gather3A_377 = tpu.vector_load_idx %arg11[%while3A_375, %broadcast_in_dim3A_4] : memref<6144x8xf32, #tpu.memory_space<vmem>>[vector<16xi32>, vector<16xi32>], vector<16xf32>,
          %gather3A_378 = tpu.vector_load_idx %arg11[%while3A_375, %broadcast_in_dim3A_0] : memref<6144x8xf32, #tpu.memory_space<vmem>>[vector<16xi32>, vector<16xi32>], vector<16xf32>,
          %gather3A_379 = tpu.vector_load_idx %arg11[%while3A_375, %broadcast_in_dim3A_2] : memref<6144x8xf32, #tpu.memory_space<vmem>>[vector<16xi32>, vector<16xi32>], vector<16xf32>,
          %mul3A_380 = arith.mulf %gather3A_376, %gather3A_377 : vector<16xf32>
          %add3A_381 = arith.addf %while3A_372, %mul3A_380 : vector<16xf32>
          %mul3A_382 = arith.mulf %gather3A_376, %gather3A_378 : vector<16xf32>
          %add3A_383 = arith.addf %while3A_373, %mul3A_382 : vector<16xf32>
          %mul3A_384 = arith.mulf %gather3A_376, %gather3A_379 : vector<16xf32>
          %add3A_385 = arith.addf %while3A_374, %mul3A_384 : vector<16xf32>
          %add3A_386 = arith.constant 16 : i32
          %add3A_387 = vector.broadcast %add3A_386 : i32 to vector<16xi32>
          %add3A_388 = arith.addi %while3A_375, %add3A_387 : vector<16xi32>
          scf.yield %add3A_381, %add3A_383, %add3A_385, %add3A_388 : vector<16xf32>, vector<16xf32>, vector<16xf32>, vector<16xi32>
        }
        scf.yield %select_n3A_343, %while3A_370#0, %while3A_370#1, %while3A_370#2 : i32, vector<16xf32>, vector<16xf32>, vector<16xf32>
      }
      %shift_left3A = arith.constant 4 : i32
      %shift_left3A_212 = arith.shli %shift_right_arithmetic3A_195, %shift_left3A : i32
      %add3A_213 = arith.addi %scan3A_187, %shift_left3A_212 : i32
      %gt3A = arith.constant 0 : i32
      %gt3A_214 = arith.cmpi sgt, %and3A_197, %gt3A : i32
      %add3A_215 = arith.constant 16 : i32
      %add3A_216 = arith.addi %add3A_213, %add3A_215 : i32
      %min3A_217 = arith.minsi %add3A_216, %squeeze3A_18 : i32
      %mul3A_218 = arith.constant 16 : i32
      %mul3A_219 = arith.muli %while3A_211#0, %mul3A_218 : i32
      %add3A_220 = arith.addi %and3A, %mul3A_219 : i32
      %min3A_221 = arith.constant 32744 : i32
      %min3A_222 = arith.minsi %add3A_220, %min3A_221 : i32
      %multiple_of3A_223 = tpu.assume_multiple %min3A_222, 8 : i32
      %mul3A_224 = arith.constant 128 : i32
      %mul3A_225 = arith.muli %multiple_of3A_223, %mul3A_224 : i32
      %add3A_226 = arith.constant 3072 : i32
      %add3A_227 = arith.addi %mul3A_225, %add3A_226 : i32
      %gt3A_228 = arith.cmpi sgt, %min3A_217, %add3A_227 : i32
      %and3A_229 = arith.andi %gt3A_214, %gt3A_228 : i1
      %convert_element_type3A_230 = arith.extui %and3A_229 : i1 to i32
      %cond3A_231 = arith.constant 0 : i32
      %cond3A_232 = arith.cmpi ne, %convert_element_type3A_230, %cond3A_231 : i32
      scf.if %cond3A_232 {
        %dma_wait3A_311 = arith.constant 0 : i32
        %dma_wait3A_312 = arith.constant 0 : i32
        %dma_wait3A_313 = arith.constant 0 : i32
        %dma_wait3A_314 = tpu.memref_slice %arg11[%dma_wait3A_312, %dma_wait3A_313] : memref<6144x8xf32, #tpu.memory_space<vmem>> -> memref<3072x8xf32, #tpu.memory_space<vmem>>
        %dma_wait3A_315 = arith.constant 0 : i32
        %dma_wait3A_316 = tpu.memref_slice %arg9[%dma_wait3A_311, %dma_wait3A_315] : memref<48x128xi32, #tpu.memory_space<vmem>> -> memref<1x128xi32, #tpu.memory_space<vmem>>
        %dma_wait3A_317 = tpu.memref_squeeze %dma_wait3A_316 : memref<1x128xi32, #tpu.memory_space<vmem>> -> memref<128xi32, #tpu.memory_space<vmem>>
        %dma_wait3A_318 = arith.constant 0 : i32
        %dma_wait3A_319 = arith.constant 0 : i32
        %dma_wait3A_320 = tpu.memref_slice %arg2[%dma_wait3A_318, %dma_wait3A_319] : memref<100000x8xf32, #tpu.memory_space<hbm>> -> memref<100000x8xf32, #tpu.memory_space<hbm>>
        tpu.wait_indirect_dma semaphore(%arg15 : memref<!tpu.dma_semaphore, #tpu.memory_space<semaphore_mem>>) src(%dma_wait3A_320 : memref<100000x8xf32, #tpu.memory_space<hbm>>) dst(%dma_wait3A_314 : memref<3072x8xf32, #tpu.memory_space<vmem>>)
        %dma_wait3A_321 = arith.constant 0 : i32
        %dma_wait3A_322 = tpu.memref_slice %arg10[%dma_wait3A_321] : memref<6144xf32, #tpu.memory_space<vmem>> -> memref<3072xf32, #tpu.memory_space<vmem>>
        %dma_wait3A_323 = arith.constant 0 : i32
        %dma_wait3A_324 = tpu.memref_slice %arg4[%dma_wait3A_323] : memref<4194304xf32, #tpu.memory_space<hbm>> -> memref<3072xf32, #tpu.memory_space<hbm>>
        %dma_wait3A_325 = arith.constant 0 : i32
        %dma_wait3A_326 = tpu.memref_slice %arg10[%dma_wait3A_325] : memref<6144xf32, #tpu.memory_space<vmem>> -> memref<3072xf32, #tpu.memory_space<vmem>>
        %dma_wait3A_327 = arith.constant 0 : i32
        %dma_wait3A_328 = tpu.memref_slice %arg4[%dma_wait3A_327] : memref<4194304xf32, #tpu.memory_space<hbm>> -> memref<3072xf32, #tpu.memory_space<hbm>>
        tpu.wait_dma2 semaphore(%arg14 : memref<!tpu.dma_semaphore, #tpu.memory_space<semaphore_mem>>) src(%dma_wait3A_328 : memref<3072xf32, #tpu.memory_space<hbm>>) dst(%dma_wait3A_326 : memref<3072xf32, #tpu.memory_space<vmem>>)
        %dma_wait3A_329 = arith.constant 0 : i32
        %dma_wait3A_330 = arith.constant 0 : i32
        %dma_wait3A_331 = tpu.memref_slice %arg9[%dma_wait3A_329, %dma_wait3A_330] : memref<48x128xi32, #tpu.memory_space<vmem>> -> memref<24x128xi32, #tpu.memory_space<vmem>>
        %dma_wait3A_332 = arith.constant 0 : i32
        %dma_wait3A_333 = arith.constant 0 : i32
        %dma_wait3A_334 = tpu.memref_slice %arg3[%dma_wait3A_332, %dma_wait3A_333] : memref<32768x128xi32, #tpu.memory_space<hbm>> -> memref<24x128xi32, #tpu.memory_space<hbm>>
        %dma_wait3A_335 = arith.constant 0 : i32
        %dma_wait3A_336 = arith.constant 0 : i32
        %dma_wait3A_337 = tpu.memref_slice %arg9[%dma_wait3A_335, %dma_wait3A_336] : memref<48x128xi32, #tpu.memory_space<vmem>> -> memref<24x128xi32, #tpu.memory_space<vmem>>
        %dma_wait3A_338 = arith.constant 0 : i32
        %dma_wait3A_339 = arith.constant 0 : i32
        %dma_wait3A_340 = tpu.memref_slice %arg3[%dma_wait3A_338, %dma_wait3A_339] : memref<32768x128xi32, #tpu.memory_space<hbm>> -> memref<24x128xi32, #tpu.memory_space<hbm>>
        tpu.wait_dma2 semaphore(%arg13 : memref<!tpu.dma_semaphore, #tpu.memory_space<semaphore_mem>>) src(%dma_wait3A_340 : memref<24x128xi32, #tpu.memory_space<hbm>>) dst(%dma_wait3A_337 : memref<24x128xi32, #tpu.memory_space<vmem>>)
        %add3A_341 = arith.constant 2 : i32
        %add3A_342 = arith.addi %while3A_211#0, %add3A_341 : i32
        %and3A_343 = arith.constant 1 : i32
        %and3A_344 = arith.andi %add3A_342, %and3A_343 : i32
        %mul3A_345 = arith.constant 16 : i32
        %mul3A_346 = arith.muli %add3A_342, %mul3A_345 : i32
        %add3A_347 = arith.addi %and3A, %mul3A_346 : i32
        %min3A_348 = arith.constant 32744 : i32
        %min3A_349 = arith.minsi %add3A_347, %min3A_348 : i32
        %multiple_of3A_350 = tpu.assume_multiple %min3A_349, 8 : i32
        %mul3A_351 = arith.constant 128 : i32
        %mul3A_352 = arith.muli %multiple_of3A_350, %mul3A_351 : i32
        %mul3A_353 = arith.constant 3072 : i32
        %mul3A_354 = arith.muli %and3A_344, %mul3A_353 : i32
        %dma_start3A_355 = tpu.memref_slice %arg10[%mul3A_354] : memref<6144xf32, #tpu.memory_space<vmem>> -> memref<3072xf32, #tpu.memory_space<vmem>>
        %dma_start3A_356 = tpu.memref_slice %arg4[%mul3A_352] : memref<4194304xf32, #tpu.memory_space<hbm>> -> memref<3072xf32, #tpu.memory_space<hbm>>
        %dma_start3A_357 = tpu.memref_slice %arg10[%mul3A_354] : memref<6144xf32, #tpu.memory_space<vmem>> -> memref<3072xf32, #tpu.memory_space<vmem>>
        %dma_start3A_358 = tpu.memref_slice %arg4[%mul3A_352] : memref<4194304xf32, #tpu.memory_space<hbm>> -> memref<3072xf32, #tpu.memory_space<hbm>>
        tpu.enqueue_dma source(%dma_start3A_358 : memref<3072xf32, #tpu.memory_space<hbm>>) target(%dma_start3A_357 : memref<3072xf32, #tpu.memory_space<vmem>>) target_semaphore(%arg14 : memref<!tpu.dma_semaphore, #tpu.memory_space<semaphore_mem>>)
        %scan3A_359 = arith.constant 0 : i32
        %scan3A_360 = arith.constant 0 : i32
        %scan3A_361 = arith.constant 24 : i32
        %scan3A_362 = arith.addi %scan3A_360, %scan3A_361 : i32
        %scan3A_363 = arith.constant 1 : i32
        %scan3A_364 = scf.for %scan3A_386 = %scan3A_360 to %scan3A_362 step %scan3A_363 iter_args(%scan3A_387 = %scan3A_359) -> (i32)  : i32 {
          %mul3A_388 = arith.constant 24 : i32
          %mul3A_389 = arith.muli %and3A_344, %mul3A_388 : i32
          %add3A_390 = arith.addi %mul3A_389, %scan3A_386 : i32
          %mul3A_391 = arith.constant 3072 : i32
          %mul3A_392 = arith.muli %and3A_344, %mul3A_391 : i32
          %mul3A_393 = arith.constant 128 : i32
          %mul3A_394 = arith.muli %scan3A_386, %mul3A_393 : i32
          %add3A_395 = arith.addi %mul3A_392, %mul3A_394 : i32
          %dma_start3A_396 = arith.constant 0 : i32
          %dma_start3A_397 = tpu.memref_slice %arg11[%add3A_395, %dma_start3A_396] : memref<6144x8xf32, #tpu.memory_space<vmem>> -> memref<128x8xf32, #tpu.memory_space<vmem>>
          %dma_start3A_398 = arith.constant 0 : i32
          %dma_start3A_399 = tpu.memref_slice %arg9[%add3A_390, %dma_start3A_398] : memref<48x128xi32, #tpu.memory_space<vmem>> -> memref<1x128xi32, #tpu.memory_space<vmem>>
          %dma_start3A_400 = tpu.memref_squeeze %dma_start3A_399 : memref<1x128xi32, #tpu.memory_space<vmem>> -> memref<128xi32, #tpu.memory_space<vmem>>
          %dma_start3A_401 = arith.constant 0 : i32
          %dma_start3A_402 = arith.constant 0 : i32
          %dma_start3A_403 = tpu.memref_slice %arg7[%dma_start3A_401, %dma_start3A_402] : memref<100000x8xf32, #tpu.memory_space<vmem_shared>> -> memref<100000x8xf32, #tpu.memory_space<vmem_shared>>
          tpu.enqueue_indirect_dma source(%dma_start3A_403 : memref<100000x8xf32, #tpu.memory_space<vmem_shared>>) target(%dma_start3A_397 : memref<128x8xf32, #tpu.memory_space<vmem>>) offsets(%dma_start3A_400 : memref<128xi32, #tpu.memory_space<vmem>>) semaphore(%arg15 : memref<!tpu.dma_semaphore, #tpu.memory_space<semaphore_mem>>)
          %scan3A_404 = arith.constant 0 : i32
          scf.yield %scan3A_404 : i32
        }
        %scan3A_365 = arith.constant 24 : i32
        %add3A_366 = arith.constant 3 : i32
        %add3A_367 = arith.addi %while3A_211#0, %add3A_366 : i32
        %and3A_368 = arith.constant 1 : i32
        %and3A_369 = arith.andi %add3A_367, %and3A_368 : i32
        %mul3A_370 = arith.constant 16 : i32
        %mul3A_371 = arith.muli %add3A_367, %mul3A_370 : i32
        %add3A_372 = arith.addi %and3A, %mul3A_371 : i32
        %min3A_373 = arith.constant 32744 : i32
        %min3A_374 = arith.minsi %add3A_372, %min3A_373 : i32
        %multiple_of3A_375 = tpu.assume_multiple %min3A_374, 8 : i32
        %mul3A_376 = arith.constant 24 : i32
        %mul3A_377 = arith.muli %and3A_369, %mul3A_376 : i32
        %dma_start3A_378 = arith.constant 0 : i32
        %dma_start3A_379 = tpu.memref_slice %arg9[%mul3A_377, %dma_start3A_378] : memref<48x128xi32, #tpu.memory_space<vmem>> -> memref<24x128xi32, #tpu.memory_space<vmem>>
        %dma_start3A_380 = arith.constant 0 : i32
        %dma_start3A_381 = tpu.memref_slice %arg3[%multiple_of3A_375, %dma_start3A_380] : memref<32768x128xi32, #tpu.memory_space<hbm>> -> memref<24x128xi32, #tpu.memory_space<hbm>>
        %dma_start3A_382 = arith.constant 0 : i32
        %dma_start3A_383 = tpu.memref_slice %arg9[%mul3A_377, %dma_start3A_382] : memref<48x128xi32, #tpu.memory_space<vmem>> -> memref<24x128xi32, #tpu.memory_space<vmem>>
        %dma_start3A_384 = arith.constant 0 : i32
        %dma_start3A_385 = tpu.memref_slice %arg3[%multiple_of3A_375, %dma_start3A_384] : memref<32768x128xi32, #tpu.memory_space<hbm>> -> memref<24x128xi32, #tpu.memory_space<hbm>>
        tpu.enqueue_dma source(%dma_start3A_385 : memref<24x128xi32, #tpu.memory_space<hbm>>) target(%dma_start3A_383 : memref<24x128xi32, #tpu.memory_space<vmem>>) target_semaphore(%arg13 : memref<!tpu.dma_semaphore, #tpu.memory_space<semaphore_mem>>)
      } else {
      }
      %add3A_233 = arith.constant 1 : i32
      %add3A_234 = arith.addi %while3A_211#0, %add3A_233 : i32
      %select_n3A = arith.select %and3A_229, %add3A_234, %while3A_211#0 : i32
      %lt3A_235 = vector.broadcast %and3A_197 : i32 to vector<16xi32>
      %lt3A_236 = arith.cmpi slt, %iota3A, %lt3A_235 : vector<16xi32>
      %mul3A_237 = arith.constant 16 : i32
      %mul3A_238 = arith.muli %select_n3A, %mul3A_237 : i32
      %add3A_239 = arith.addi %and3A, %mul3A_238 : i32
      %min3A_240 = arith.constant 32744 : i32
      %min3A_241 = arith.minsi %add3A_239, %min3A_240 : i32
      %multiple_of3A_242 = tpu.assume_multiple %min3A_241, 8 : i32
      %mul3A_243 = arith.constant 128 : i32
      %mul3A_244 = arith.muli %multiple_of3A_242, %mul3A_243 : i32
      %sub3A_245 = arith.subi %add3A_213, %mul3A_244 : i32
      %and3A_246 = arith.constant 1 : i32
      %and3A_247 = arith.andi %select_n3A, %and3A_246 : i32
      %mul3A_248 = arith.constant 3072 : i32
      %mul3A_249 = arith.muli %and3A_247, %mul3A_248 : i32
      %add3A_250 = arith.addi %sub3A_245, %mul3A_249 : i32
      %add3A_251 = vector.broadcast %add3A_250 : i32 to vector<16xi32>
      %add3A_252 = arith.addi %add3A_251, %iota3A : vector<16xi32>
      %gather3A = tpu.vector_load_idx %arg10[%add3A_252] masked %lt3A_236 : memref<6144xf32, #tpu.memory_space<vmem>>[vector<16xi32>], vector<16xf32>, vector<16xi1>
      %jit3A = arith.constant 0.000000e+00 : f32
      %broadcast_in_dim3A_253 = vector.broadcast %jit3A : f32 to vector<16xf32>
      %select_n3A_254 = arith.select %lt3A_236, %gather3A, %broadcast_in_dim3A_253 : vector<16xi1>, vector<16xf32>
      %gather3A_255 = tpu.vector_load_idx %arg11[%add3A_252, %broadcast_in_dim3A_4] masked %lt3A_236 : memref<6144x8xf32, #tpu.memory_space<vmem>>[vector<16xi32>, vector<16xi32>], vector<16xf32>, vector<16xi1>
      %jit3A_256 = arith.constant 0.000000e+00 : f32
      %broadcast_in_dim3A_257 = vector.broadcast %jit3A_256 : f32 to vector<16xf32>
      %select_n3A_258 = arith.select %lt3A_236, %gather3A_255, %broadcast_in_dim3A_257 : vector<16xi1>, vector<16xf32>
      %gather3A_259 = tpu.vector_load_idx %arg11[%add3A_252, %broadcast_in_dim3A_0] masked %lt3A_236 : memref<6144x8xf32, #tpu.memory_space<vmem>>[vector<16xi32>, vector<16xi32>], vector<16xf32>, vector<16xi1>
      %jit3A_260 = arith.constant 0.000000e+00 : f32
      %broadcast_in_dim3A_261 = vector.broadcast %jit3A_260 : f32 to vector<16xf32>
      %select_n3A_262 = arith.select %lt3A_236, %gather3A_259, %broadcast_in_dim3A_261 : vector<16xi1>, vector<16xf32>
      %gather3A_263 = tpu.vector_load_idx %arg11[%add3A_252, %broadcast_in_dim3A_2] masked %lt3A_236 : memref<6144x8xf32, #tpu.memory_space<vmem>>[vector<16xi32>, vector<16xi32>], vector<16xf32>, vector<16xi1>
      %jit3A_264 = arith.constant 0.000000e+00 : f32
      %broadcast_in_dim3A_265 = vector.broadcast %jit3A_264 : f32 to vector<16xf32>
      %select_n3A_266 = arith.select %lt3A_236, %gather3A_263, %broadcast_in_dim3A_265 : vector<16xi1>, vector<16xf32>
      %mul3A_267 = arith.mulf %select_n3A_254, %select_n3A_258 : vector<16xf32>
      %add3A_268 = arith.addf %while3A_211#1, %mul3A_267 : vector<16xf32>
      %mul3A_269 = arith.mulf %select_n3A_254, %select_n3A_262 : vector<16xf32>
      %add3A_270 = arith.addf %while3A_211#2, %mul3A_269 : vector<16xf32>
      %mul3A_271 = arith.mulf %select_n3A_254, %select_n3A_266 : vector<16xf32>
      %add3A_272 = arith.addf %while3A_211#3, %mul3A_271 : vector<16xf32>
      %reduce_sum3A = arith.constant true
      %reduce_sum3A_273 = vector.broadcast %reduce_sum3A : i1 to vector<16xi1>
      %reduce_sum3A_274 = tpu.scan <sum>, %add3A_268 masked %reduce_sum3A_273 : vector<16xf32>, vector<16xi1> -> vector<16xf32>
      %reduce_sum3A_275 = vector.extract %reduce_sum3A_274[15] : f32 from vector<16xf32>
      %reduce_sum3A_276 = arith.constant true
      %reduce_sum3A_277 = vector.broadcast %reduce_sum3A_276 : i1 to vector<16xi1>
      %reduce_sum3A_278 = tpu.scan <sum>, %add3A_270 masked %reduce_sum3A_277 : vector<16xf32>, vector<16xi1> -> vector<16xf32>
      %reduce_sum3A_279 = vector.extract %reduce_sum3A_278[15] : f32 from vector<16xf32>
      %reduce_sum3A_280 = arith.constant true
      %reduce_sum3A_281 = vector.broadcast %reduce_sum3A_280 : i1 to vector<16xi1>
      %reduce_sum3A_282 = tpu.scan <sum>, %add3A_272 masked %reduce_sum3A_281 : vector<16xf32>, vector<16xi1> -> vector<16xf32>
      %reduce_sum3A_283 = vector.extract %reduce_sum3A_282[15] : f32 from vector<16xf32>
      %eq3A_284 = arith.constant 0 : i32
      %eq3A_285 = vector.broadcast %eq3A_284 : i32 to vector<16xi32>
      %eq3A_286 = arith.cmpi eq, %iota3A, %eq3A_285 : vector<16xi32>
      %jit3A_287 = arith.constant 0.000000e+00 : f32
      %broadcast_in_dim3A_288 = vector.broadcast %reduce_sum3A_275 : f32 to vector<16xf32>
      %broadcast_in_dim3A_289 = vector.broadcast %jit3A_287 : f32 to vector<16xf32>
      %select_n3A_290 = arith.select %eq3A_286, %broadcast_in_dim3A_288, %broadcast_in_dim3A_289 : vector<16xi1>, vector<16xf32>
      %eq3A_291 = arith.constant 1 : i32
      %eq3A_292 = vector.broadcast %eq3A_291 : i32 to vector<16xi32>
      %eq3A_293 = arith.cmpi eq, %iota3A, %eq3A_292 : vector<16xi32>
      %jit3A_294 = arith.constant 0.000000e+00 : f32
      %broadcast_in_dim3A_295 = vector.broadcast %reduce_sum3A_279 : f32 to vector<16xf32>
      %broadcast_in_dim3A_296 = vector.broadcast %jit3A_294 : f32 to vector<16xf32>
      %select_n3A_297 = arith.select %eq3A_293, %broadcast_in_dim3A_295, %broadcast_in_dim3A_296 : vector<16xi1>, vector<16xf32>
      %add3A_298 = arith.addf %select_n3A_290, %select_n3A_297 : vector<16xf32>
      %eq3A_299 = arith.constant 2 : i32
      %eq3A_300 = vector.broadcast %eq3A_299 : i32 to vector<16xi32>
      %eq3A_301 = arith.cmpi eq, %iota3A, %eq3A_300 : vector<16xi32>
      %jit3A_302 = arith.constant 0.000000e+00 : f32
      %broadcast_in_dim3A_303 = vector.broadcast %reduce_sum3A_283 : f32 to vector<16xf32>
      %broadcast_in_dim3A_304 = vector.broadcast %jit3A_302 : f32 to vector<16xf32>
      %select_n3A_305 = arith.select %eq3A_301, %broadcast_in_dim3A_303, %broadcast_in_dim3A_304 : vector<16xi1>, vector<16xf32>
      %add3A_306 = arith.addf %add3A_298, %select_n3A_305 : vector<16xf32>
      %mul3A_307 = arith.constant 3 : i32
      %mul3A_308 = arith.muli %mul3A_307, %scan3A_185 : i32
      %add3A_309 = vector.broadcast %mul3A_308 : i32 to vector<16xi32>
      %add3A_310 = arith.addi %add3A_309, %iota3A : vector<16xi32>
      tpu.vector_store_idx %arg12[%add3A_310], %add3A_306 masked %lt3A_6 : memref<6160xf32, #tpu.memory_space<vmem>>[vector<16xi32>], vector<16xf32>, vector<16xi1>
      scf.yield %select_n3A, %squeeze3A_193 : i32, i32
    }
    %scan3A_150 = arith.constant 2048 : i32
    %dma_wait3A_151 = arith.constant 0 : i32
    %dma_wait3A_152 = arith.constant 0 : i32
    %dma_wait3A_153 = arith.constant 0 : i32
    %dma_wait3A_154 = tpu.memref_slice %arg11[%dma_wait3A_152, %dma_wait3A_153] : memref<6144x8xf32, #tpu.memory_space<vmem>> -> memref<3072x8xf32, #tpu.memory_space<vmem>>
    %dma_wait3A_155 = arith.constant 0 : i32
    %dma_wait3A_156 = tpu.memref_slice %arg9[%dma_wait3A_151, %dma_wait3A_155] : memref<48x128xi32, #tpu.memory_space<vmem>> -> memref<1x128xi32, #tpu.memory_space<vmem>>
    %dma_wait3A_157 = tpu.memref_squeeze %dma_wait3A_156 : memref<1x128xi32, #tpu.memory_space<vmem>> -> memref<128xi32, #tpu.memory_space<vmem>>
    %dma_wait3A_158 = arith.constant 0 : i32
    %dma_wait3A_159 = arith.constant 0 : i32
    %dma_wait3A_160 = tpu.memref_slice %arg2[%dma_wait3A_158, %dma_wait3A_159] : memref<100000x8xf32, #tpu.memory_space<hbm>> -> memref<100000x8xf32, #tpu.memory_space<hbm>>
    tpu.wait_indirect_dma semaphore(%arg15 : memref<!tpu.dma_semaphore, #tpu.memory_space<semaphore_mem>>) src(%dma_wait3A_160 : memref<100000x8xf32, #tpu.memory_space<hbm>>) dst(%dma_wait3A_154 : memref<3072x8xf32, #tpu.memory_space<vmem>>)
    %dma_wait3A_161 = arith.constant 0 : i32
    %dma_wait3A_162 = tpu.memref_slice %arg10[%dma_wait3A_161] : memref<6144xf32, #tpu.memory_space<vmem>> -> memref<3072xf32, #tpu.memory_space<vmem>>
    %dma_wait3A_163 = arith.constant 0 : i32
    %dma_wait3A_164 = tpu.memref_slice %arg4[%dma_wait3A_163] : memref<4194304xf32, #tpu.memory_space<hbm>> -> memref<3072xf32, #tpu.memory_space<hbm>>
    %dma_wait3A_165 = arith.constant 0 : i32
    %dma_wait3A_166 = tpu.memref_slice %arg10[%dma_wait3A_165] : memref<6144xf32, #tpu.memory_space<vmem>> -> memref<3072xf32, #tpu.memory_space<vmem>>
    %dma_wait3A_167 = arith.constant 0 : i32
    %dma_wait3A_168 = tpu.memref_slice %arg4[%dma_wait3A_167] : memref<4194304xf32, #tpu.memory_space<hbm>> -> memref<3072xf32, #tpu.memory_space<hbm>>
    tpu.wait_dma2 semaphore(%arg14 : memref<!tpu.dma_semaphore, #tpu.memory_space<semaphore_mem>>) src(%dma_wait3A_168 : memref<3072xf32, #tpu.memory_space<hbm>>) dst(%dma_wait3A_166 : memref<3072xf32, #tpu.memory_space<vmem>>)
    %dma_wait3A_169 = arith.constant 0 : i32
    %dma_wait3A_170 = arith.constant 0 : i32
    %dma_wait3A_171 = tpu.memref_slice %arg9[%dma_wait3A_169, %dma_wait3A_170] : memref<48x128xi32, #tpu.memory_space<vmem>> -> memref<24x128xi32, #tpu.memory_space<vmem>>
    %dma_wait3A_172 = arith.constant 0 : i32
    %dma_wait3A_173 = arith.constant 0 : i32
    %dma_wait3A_174 = tpu.memref_slice %arg3[%dma_wait3A_172, %dma_wait3A_173] : memref<32768x128xi32, #tpu.memory_space<hbm>> -> memref<24x128xi32, #tpu.memory_space<hbm>>
    %dma_wait3A_175 = arith.constant 0 : i32
    %dma_wait3A_176 = arith.constant 0 : i32
    %dma_wait3A_177 = tpu.memref_slice %arg9[%dma_wait3A_175, %dma_wait3A_176] : memref<48x128xi32, #tpu.memory_space<vmem>> -> memref<24x128xi32, #tpu.memory_space<vmem>>
    %dma_wait3A_178 = arith.constant 0 : i32
    %dma_wait3A_179 = arith.constant 0 : i32
    %dma_wait3A_180 = tpu.memref_slice %arg3[%dma_wait3A_178, %dma_wait3A_179] : memref<32768x128xi32, #tpu.memory_space<hbm>> -> memref<24x128xi32, #tpu.memory_space<hbm>>
    tpu.wait_dma2 semaphore(%arg13 : memref<!tpu.dma_semaphore, #tpu.memory_space<semaphore_mem>>) src(%dma_wait3A_180 : memref<24x128xi32, #tpu.memory_space<hbm>>) dst(%dma_wait3A_177 : memref<24x128xi32, #tpu.memory_space<vmem>>)
    %mul3A_181 = arith.constant 2048 : i32
    %mul3A_182 = arith.muli %add3A, %mul3A_181 : i32
    %mul3A_183 = arith.constant 3 : i32
    %mul3A_184 = arith.muli %mul3A_182, %mul3A_183 : i32
    "tpu.region"() ({
      %run_scoped3A = tpu.sem_alloc : memref<!tpu.dma_semaphore, #tpu.memory_space<semaphore_mem>>
      %dma_start3A_185 = arith.constant 0 : i32
      %dma_start3A_186 = tpu.memref_slice %arg12[%dma_start3A_185] : memref<6160xf32, #tpu.memory_space<vmem>> -> memref<6144xf32, #tpu.memory_space<vmem>>
      %dma_start3A_187 = tpu.memref_slice %arg6[%mul3A_184] : memref<196608xf32, #tpu.memory_space<hbm>> -> memref<6144xf32, #tpu.memory_space<hbm>>
      %dma_start3A_188 = tpu.memref_slice %arg6[%mul3A_184] : memref<196608xf32, #tpu.memory_space<hbm>> -> memref<6144xf32, #tpu.memory_space<hbm>>
      %dma_start3A_189 = arith.constant 0 : i32
      %dma_start3A_190 = tpu.memref_slice %arg12[%dma_start3A_189] : memref<6160xf32, #tpu.memory_space<vmem>> -> memref<6144xf32, #tpu.memory_space<vmem>>
      tpu.enqueue_dma source(%dma_start3A_190 : memref<6144xf32, #tpu.memory_space<vmem>>) target(%dma_start3A_188 : memref<6144xf32, #tpu.memory_space<hbm>>) target_semaphore(%run_scoped3A : memref<!tpu.dma_semaphore, #tpu.memory_space<semaphore_mem>>)
      %dma_wait3A_191 = arith.constant 0 : i32
      %dma_wait3A_192 = tpu.memref_slice %arg12[%dma_wait3A_191] : memref<6160xf32, #tpu.memory_space<vmem>> -> memref<6144xf32, #tpu.memory_space<vmem>>
      %dma_wait3A_193 = tpu.memref_slice %arg6[%mul3A_184] : memref<196608xf32, #tpu.memory_space<hbm>> -> memref<6144xf32, #tpu.memory_space<hbm>>
      %dma_wait3A_194 = tpu.memref_slice %arg6[%mul3A_184] : memref<196608xf32, #tpu.memory_space<hbm>> -> memref<6144xf32, #tpu.memory_space<hbm>>
      %dma_wait3A_195 = arith.constant 0 : i32
      %dma_wait3A_196 = tpu.memref_slice %arg12[%dma_wait3A_195] : memref<6160xf32, #tpu.memory_space<vmem>> -> memref<6144xf32, #tpu.memory_space<vmem>>
      tpu.wait_dma2 semaphore(%run_scoped3A : memref<!tpu.dma_semaphore, #tpu.memory_space<semaphore_mem>>) src(%dma_wait3A_196 : memref<6144xf32, #tpu.memory_space<vmem>>) dst(%dma_wait3A_194 : memref<6144xf32, #tpu.memory_space<hbm>>)
      tpu.yield
    }) : () -> ()
    return
  }
}

</mosaic_0001>

<sc_bundles>
// kernel: kernel.3.cloned.1.call-start
scs
__scs_entry_jumppad:
0x0: {  	(pc) =	sbr.rel $0x88, $3  }
0x1: {  	(tag) =	ssettag $0x0;
	lr =	simm.s32 $0x1  }
0x2: {  	[smem:$0x3F9D] =	sst lr;
	_ =	strace $0xD0000000  }
0x3: {  	_ = 	snop  }
0x4: {  	_ = 	snop  }
0x5: {  	_ = 	snop  }
0x6: {  	_ = 	snop  }
0x7: {  	_ = 	snop  }
__scs_overlays_trampoline_lowered:
0x8: {  	[smem:$0x3FAC] =	sst s0  }
0x9: {  	[smem:$0x3FAD] =	sst s1  }
0xa: {  	[smem:$0x3FAE] =	sst s2  }
0xb: {  	[smem:$0x3FAF] =	sst s3  }
0xc: {  	[smem:$0x3FB0] =	sst s4  }
0xd: {  	[smem:$0x3FB1] =	sst s5  }
0xe: {  	[smem:$0x3FB2] =	sst s6  }
0xf: {  	[smem:$0x3FB3] =	sst s7  }
0x10: {  	[smem:$0x3FB4] =	sst s8  }
0x11: {  	[smem:$0x3FB5] =	sst s9;
	s0 =	simm.s32 @!p0 $0x0  }
0x12: {  	s1 =	sld [smem:$0x3F9B];
	s0 =	simm.s32 @p0 $0x1  }
0x13: {  	[smem:$0x3FB6] =	sst s0;
	s0 =	simm.s32 @!p1 $0x0  }
0x14: {  	s2 =	sld [smem:$0x3F9A];
	s0 =	simm.s32 @p1 $0x1  }
0x15: {  	[smem:$0x3FB7] =	sst s0;
	s0 =	simm.s32 @!p2 $0x0  }
0x16: {  	s3 =	sld [smem:$0x3FDB];
	s0 =	simm.s32 @p2 $0x1  }
0x17: {  	s4 =	simm.s32 $0x1BF5;
	[smem:$0x3FB9] =	sst s0  }
0x18: {  	s0 =	sld [smem:$0x3F9C];
	_ =	swait.ge [sflag:s4], $0x0  }
0x19: {  	s7 =	sld [smem:$0x3F9D]  }
0x1a: {  	s8 =	sadd.s32 $0xFFFFE003, lr  }
0x1b: {  	s9 =	sadd.s32 $0xFFFFFEF7, lr;
	s5 =	simm.s32 $0xFFFFFFFF;
	p2 =	slt.u32 s8, $0xFFFFF086  }
0x1c: {  	p1 =	slt.u32 s9, $0xF7A;
	s5 =	simm.s32 @!p2 $0x0  }
0x1d: {  	s5 =	simm.s32 @p1 $0x1;
	p0 =	seq.s32 s7, s2  }
0x1e: {  	s7 =	smul.u32 @!p0 $0xF7A, s2;
	p2 =	seq.s32 @!p0 s5, $0x0  }
0x1f: {  	s9 =	smul.u32 $0xF7A, s1;
	s8 =	simm.s32 @!p0 $0x1BF5;
	p2 =	por !p2, p0  }
0x20: {  	[sflag:s8] =	ssyncset.s32 @!p0 $0xFFFFF086;
	s6 =	sadd.s32 @!p0 s3, s7;
	s7 =	simm.s32 @!p0 $0x108  }
0x21: {  	s3 =	sadd.s32 s3, s9;
	s6 =	sadd.s32 @!p0 $0x88, s6;
	s7 =	simm.s32 @p2 $0x1082  }
0x22: {  	[simem:s7], [sflag:s8] =	dma.local @!p0 [hbm:s6], $0xF7A  }
0x23: {  	s9 =	sor.u32 $0xD0000000, s2;
	s6 =	simm.s32 $0x108;
	_ =	swait.ge @!p0 [sflag:s8], $0x0  }
0x24: {  	s3 =	sadd.s32 $0x88, s3;
	s6 =	simm.s32 @!p1 $0x1082;
	[sflag:s4] =	ssyncset.s32 $0xFFFFF086  }
0x25: {  	[simem:s6], [sflag:s4] =	dma.local [hbm:s3], $0xF7A  }
0x26: {  	[smem:$0x3F9D] =	sst s1;
	(tag) =	ssettag s2;
	_ =	strace s9  }
0x27: {  	s1 =	sld [smem:$0x3FAD]  }
0x28: {  	s2 =	sld [smem:$0x3FAE]  }
0x29: {  	s4 =	sld [smem:$0x3FB0]  }
0x2a: {  	p0 =	seq.s32 s5, $0x0;
	s5 =	sld [smem:$0x3FB1]  }
0x2b: {  	s6 =	sld [smem:$0x3FB2]  }
0x2c: {  	s7 =	sld [smem:$0x3FB3]  }
0x2d: {  	s3 =	simm.s32 $0x108;
	s8 =	sld [smem:$0x3FB4]  }
0x2e: {  	s3 =	simm.s32 @!p0 $0x1082;
	s9 =	sld [smem:$0x3FB5]  }
0x2f: {  	lr =	sadd.s32 s0, s3;
	s0 =	sld [smem:$0x3FAC]  }
0x30: {  	s3 =	sld [smem:$0x3FAF]  }
0x31: {  	[smem:$0x3FB8] =	sst s10  }
0x32: {  	s10 =	sld [smem:$0x3FB6];
	_ =	sdelay $0x3  }
0x33: {  	p0 =	seq.s32 s10, $0x1;
	s10 =	sld [smem:$0x3FB8];
	_ =	sdelay $0x3  }
0x34: {  	[smem:$0x3FB8] =	sst s10  }
0x35: {  	s10 =	sld [smem:$0x3FB7];
	_ =	sdelay $0x3  }
0x36: {  	p1 =	seq.s32 s10, $0x1;
	s10 =	sld [smem:$0x3FB8];
	_ =	sdelay $0x3  }
0x37: {  	[smem:$0x3FB8] =	sst s10  }
0x38: {  	s10 =	sld [smem:$0x3FB9]  }
0x39: {  	_ = 	snop;
	(pc) =	sbr.ind lr, $3  }
0x3a: {  	_ = 	snop  }
0x3b: {  	_ = 	snop  }
0x3c: {  	p2 =	seq.s32 s10, $0x1;
	s10 =	sld [smem:$0x3FB8]  }
0x3d: {  	_ =	shalt  }
0x3e: {  	_ =	shalt  }
0x3f: {  	_ =	shalt  }
0x40: {  	_ =	shalt  }
0x41: {  	_ =	shalt  }
0x42: {  	_ =	shalt  }
0x43: {  	_ =	shalt  }
0x44: {  	_ =	shalt  }
0x45: {  	_ =	shalt  }
0x46: {  	_ =	shalt  }
0x47: {  	_ =	shalt  }
0x48: {  	_ =	shalt  }
0x49: {  	_ =	shalt  }
0x4a: {  	_ =	shalt  }
0x4b: {  	_ =	shalt  }
0x4c: {  	_ =	shalt  }
0x4d: {  	_ =	shalt  }
0x4e: {  	_ =	shalt  }
0x4f: {  	_ =	shalt  }
0x50: {  	_ =	shalt  }
0x51: {  	_ =	shalt  }
0x52: {  	_ =	shalt  }
0x53: {  	_ =	shalt  }
0x54: {  	_ =	shalt  }
0x55: {  	_ =	shalt  }
0x56: {  	_ =	shalt  }
0x57: {  	_ =	shalt  }
0x58: {  	_ =	shalt  }
0x59: {  	_ =	shalt  }
0x5a: {  	_ =	shalt  }
0x5b: {  	_ =	shalt  }
0x5c: {  	_ =	shalt  }
0x5d: {  	_ =	shalt  }
0x5e: {  	_ =	shalt  }
0x5f: {  	_ =	shalt  }
0x60: {  	_ =	shalt  }
0x61: {  	_ =	shalt  }
0x62: {  	_ =	shalt  }
0x63: {  	_ =	shalt  }
0x64: {  	_ =	shalt  }
0x65: {  	_ =	shalt  }
0x66: {  	_ =	shalt  }
0x67: {  	_ =	shalt  }
0x68: {  	_ =	shalt  }
0x69: {  	_ =	shalt  }
0x6a: {  	_ =	shalt  }
0x6b: {  	_ =	shalt  }
0x6c: {  	_ =	shalt  }
0x6d: {  	_ =	shalt  }
0x6e: {  	_ =	shalt  }
0x6f: {  	_ =	shalt  }
0x70: {  	_ =	shalt  }
0x71: {  	_ =	shalt  }
0x72: {  	_ =	shalt  }
0x73: {  	_ =	shalt  }
0x74: {  	_ =	shalt  }
0x75: {  	_ =	shalt  }
0x76: {  	_ =	shalt  }
0x77: {  	_ =	shalt  }
0x78: {  	_ =	shalt  }
0x79: {  	_ =	shalt  }
0x7a: {  	_ =	shalt  }
0x7b: {  	_ =	shalt  }
0x7c: {  	_ =	shalt  }
0x7d: {  	_ =	shalt  }
0x7e: {  	_ =	shalt  }
0x7f: {  	_ =	shalt  }
0x80: {  	_ =	shalt  }
0x81: {  	_ =	shalt  }
0x82: {  	_ =	shalt  }
0x83: {  	_ =	shalt  }
0x84: {  	_ =	shalt  }
0x85: {  	_ =	shalt  }
0x86: {  	_ =	shalt  }
0x87: {  	_ =	shalt  }
.Lfunc_end0:
.L_simem_size_0:
called_computation_lowered:
.L_overlay_start_0:
0x88: {  	s2 =	sld [smem:$0x3FD9]  }
0x89: {  	s3 =	sld [smem:$0x3FFE];
	_ =	sdelay $0x1  }
0x8a: {  	s1 =	srdreg.scid  }
0x8b: {  	s0 =	sand.u32 $0x1, s1  }
0x8c: {  	s17 =	sshll.u32 s0, $0xA;
	s2 =	sadd.s32 s3, s2  }
0x8d: {  	s2 =	sadd.s32 s2, s17  }
0x8e: {  	[smem:$0x3FC4] =	sst s2  }
0x8f: {  	_ = 	snop  }
0x90: {  	s2 =	sld [smem:$0x3FC8]  }
0x91: {  	s18 =	sld [smem:$0x3FC7]  }
0x92: {  	s4 =	sld [smem:$0x3FD0];
	(tm) =	ssettm $0x1  }
0x93: {  	s5 =	sld [smem:$0x3FFB];
	_ =	sdelay $0x3  }
0x94: {  	_ =	strace s5  }
0x95: {  	s5 =	sld [smem:$0x3FFC];
	_ =	sdelay $0x3  }
0x96: {  	_ =	strace s5  }
0x97: {  	s5 =	sld [smem:$0x3FFD];
	_ =	sdelay $0x3  }
0x98: {  	_ =	strace s5  }
0x99: {  	_ =	strace $0x8FFFFFFF  }
0x9a: {  	s19 =	sld [smem:$0x3FDB];
	_ =	sdelay $0x1  }
0x9b: {  	s6 =	simm.s32 $_scs_section_size  }
0x9c: {  	s7 =	simm.s32 $_size__tile_overlayer_lowered;
	s8 =	simm.s32 $_tile_overlayer_lowered  }
0x9d: {  	s22 =	simm.s32 $0x1BFF;
	s21 =	sshll.u32 s8, $0x1;
	s5 =	sadd.s32 s6, s19  }
0x9e: {  	s9 =	simm.s32 $0x0;
	s20 =	sshll.u32 s7, $0x1;
	s7 =	sadd.s32 s21, s5  }
0x9f: {  	[timem:s9], [sflag:s22] =	dma.local [hbm:s7], s20  }
0xa0: {  	_ =	swait.ge [sflag:s22], s20  }
0xa1: {  	s6 =	ssub.s32 $0x0, s20;
	[sflag:s22] =	ssyncset.done $0x0  }
0xa2: {  	[sflag:s22] =	ssyncadd.s32 s6;
	_ =	sdelay $0x1  }
0xa3: {  	s23 =	simm.s32 $0x1B8B  }
0xa4: {  	_ =	swait.ge [sflag:s23], $0x1  }
0xa5: {  	[sflag:s23] =	ssyncset.done $0x0  }
0xa6: {  	s25 =	simm.s32 $0x1B8E;
	s24 =	sld [smem:$0x3FFE];
	[sflag:s23] =	ssyncadd.s32 $0xFFFFFFFF  }
0xa7: {  	s26 =	simm.s32 $execute0_lowered;
	[smem:$0x3FD2] =	sst s25  }
0xa8: {  	s7 =	sshll.u32 s26, $0x1;
	_ =	strace $0x80000046;
	[dreg:$0x1] =	wrdreg $0xFFFFFFFF  }
0xa9: {  	s28 =	simm.s32 $_size_execute0_lowered;
	s5 =	sadd.s32 s5, s7;
	[dreg:$0x0] =	wrdreg $0x0  }
0xaa: {  	s7 =	sshll.u32 s28, $0x1;
	[dreg:$0x2] =	wrdreg s5  }
0xab: {  	[dreg:$0x3] =	wrdreg s7  }
0xac: {  	[dreg:$0x4] =	wrdreg $0xC0  }
0xad: {  	_ =	task [dreg:s9], $0x5FFFF  }
0xae: {  	[dreg:$0x1] =	wrdreg $0xFFFFFFFF  }
0xaf: {  	[dreg:$0x0] =	wrdreg $0x60  }
0xb0: {  	[dreg:$0x2] =	wrdreg s24  }
0xb1: {  	[dreg:$0x3] =	wrdreg s2  }
0xb2: {  	[dreg:$0x4] =	wrdreg s18  }
0xb3: {  	[dreg:$0x5] =	wrdreg s4  }
0xb4: {  	[dreg:$0x6] =	wrdreg $0x0  }
0xb5: {  	[dreg:$0x7] =	wrdreg $0x9  }
0xb6: {  	_ =	task.clear_ibuf [dreg:s9], $0x8FFFF;
	_ =	strace $0x90000046  }
0xb7: {  	s29 =	simm.s32 $0x9;
	_ =	strace $0x80000048  }
0xb8: {  	_ =	swait.ge [sflag:s29], $0x1  }
0xb9: {  	[sflag:s29] =	ssyncadd.s32 $0xFFFFFFFF  }
0xba: {  	_ =	strace $0x90000048  }
0xbb: {  	_ =	sfence  }
0xbc: {  	s30 =	sld [smem:$0x0];
	_ =	sdelay $0x2  }
0xbd: {  	s31 =	sshll.u32 s1, $0xD;
	s1 =	sshrl.u32 s1, $0x2  }
0xbe: {  	s3 =	sand.u32 $0x4000, s31;
	s1 =	sadd.s32 s1, s30  }
0xbf: {  	s0 =	sor.u32 s3, s0;
	s1 =	sshll.u32 s1, $0x11  }
0xc0: {  	s0 =	sor.u32 s1, s0  }
0xc1: {  	s0 =	sadd.s32 $0x8F2B, s0  }
0xc2: {  	[sflag:s0] =	ssyncadd.remote.s32 $0x1  }
0xc3: {  	_ =	sfence.sel $0xFFFF  }
0xc4: {  	[dreg:$0x0] =	wrdreg $0xFFFFFFFF;
	(pc) =	sbr.abs _section_cstart, $3  }
0xc5: {  	[dreg:$0x1] =	wrdreg $0xFFFFFFFF  }
0xc6: {  	_ =	task.clear_ibuf [dreg:s9], $0x2FFFF;
	_ =	strace $0x9FFFFFFF  }
0xc7: {  	(tm) =	ssettm $0x7FFFFFFF  }
tec
execute0_lowered:
.L_overlay_start_1:
0x0: {  	(tag) =	ssettag $0x1  }
0x1: {  	s0 =	rddreg [dreg:$0x0]  }
0x2: {  	s1 =	rddreg [dreg:$0x1]  }
0x3: {  	s2 =	rddreg [dreg:$0x2]  }
0x4: {  	s5 =	rddreg [dreg:$0x3]  }
0x5: {  	s3 =	rddreg [dreg:$0x4];
	s6 =	srdreg.scid;
	s4 =	simm.s32 $0x0  }
0x6: {  	s7 =	stileid.u32;
	s13 =	simm.s32 $0x1;
	s14 =	simm.s32 $0xE370  }
0x7: {  	s15 =	simm.s32 $0x80;
	s16 =	simm.s32 $0xFB70;
	s17 =	simm.s32 $0x2  }
0x8: {  	s6 =	sand.u32 $0x1, s6;
	[smem:$0x7FF] =	sst s4;
	s11 =	sadd.s32 $0x600, s0  }
0x9: {  	s8 =	sshll.u32 s6, $0x4;
	_ =	strace $0x80000047;
	s6 =	ssub.s32 $0x2, s6  }
0xa: {  	[dreg:$0x6] =	wrdreg s11;
	s8 =	sor.u32 s7, s8;
	s10 =	sshrl.u32 s6, $0x1  }
0xb: {  	s9 =	sshll.u32 s8, $0x8;
	s8 =	smul.u32 $0x300, s8;
	s6 =	ssub.s32 s6, s10  }
.Ltmp0:
0xc: {  	s0 =	sadd.s32 s9, s0;
	s31 =	smax.u32 s6, $0x1;
	(pc) =	sbr.rel .LBB2_1-.Ltmp0, $4  }
0xd: {  	s28 =	simm.s32 $0x1BB70;
	s0 =	sadd.s32 $0x18E00, s0;
	[dreg:$0x9] =	wrdreg s31  }
0xe: {  	p0 =	sne.s32 s7, $0x0;
	s30 =	sadd.s32 s5, s8;
	[dreg:$0x7] =	wrdreg s0  }
0xf: {  	v0 =	vlaneseq.u32;
	s7 =	simm.s32 $0x4;
	[dreg:$0x8] =	wrdreg s30;
	s0 =	sshrl.u32 @!p0 s3, $0x3  }
0x10: {  	vm0 =	vmmov $0x1;
	vm1 =	vcmask $0x704;
	vm2 =	vcmask $0xB08;
	s10 =	simm.s32 $0x3;
	s5 =	simm.s32 $0x0;
	[dreg:$0xa] =	wrdreg s0  }
.LBB2_18:
0x11: {  	_ =	swait.ge [sflag:s10], $0x6000  }
0x12: {  	[sflag:s10] =	ssyncset.done $0x0  }
0x13: {  	[sflag:s10] =	ssyncadd.s32 $0xFFFFA000  }
0x14: {  	_ =	swait.ge [sflag:s17], $0xC00  }
0x15: {  	[sflag:s17] =	ssyncset.done $0x0  }
0x16: {  	[sflag:s17] =	ssyncadd.s32 $0xFFFFF400  }
0x17: {  	_ =	swait.ge [sflag:s13], $0xC00  }
0x18: {  	[sflag:s13] =	ssyncset.done $0x0  }
0x19: {  	s7 =	simm.s32 $0x4;
	s0 =	rddreg [dreg:$0x8];
	[sflag:s13] =	ssyncadd.s32 $0xFFFFF400  }
0x1a: {  	[hbm4b:s0+s4] =	stream.linear.scatter [tilespmem:s28], [sflag:$0x4], $0x1800, $0x38;
	[tilespmem:$0x1D380] =	vst v63  }
0x1b: {  	_ =	swait.ge [sflag:s7], $0x1800  }
0x1c: {  	s5 =	rddreg [dreg:$0xb]  }
0x1d: {  	s31 =	rddreg [dreg:$0x9];
	s5 =	sadd.s32 $0x1, s5  }
0x1e: {  	p1 =	sne.s32 s5, s31  }
.Ltmp1:
0x1f: {  	_ = 	snop;
	(pc) =	sbr.rel @!p1 .LBB2_19-.Ltmp1, $3  }
0x20: {  	_ =	sdelay $0x1  }
0x21: {  	[sflag:s7] =	ssyncset.done $0x0  }
0x22: {  	[sflag:s7] =	ssyncadd.s32 $0xFFFFE800  }
.LBB2_1:
0x23: {  	[dreg:$0xb] =	wrdreg s5  }
0x24: {  	s5 =	rddreg [dreg:$0x6]  }
0x25: {  	s0 =	simm.s32 @!p0 $0x1C04;
	s6 =	rddreg [dreg:$0xa]  }
0x26: {  	[spmem:s6], [sflag:s0] =	dma.local @!p0 [hbm:s5], $0x186A0  }
0x27: {  	s0 =	simm.s32 @!p0 $0x4  }
0x28: {  	_ =	swait.ge @!p0 [sflag:s0], $0x186A0  }
0x29: {  	[sflag:s0] =	ssyncset.done @!p0 $0x0  }
0x2a: {  	[sflag:s0] =	ssyncadd.s32 @!p0 $0xFFFE7960  }
0x2b: {  	[bflag:$0x0] =	sbarrier.arrive $0xFFFF  }
0x2c: {  	s6 =	simm.s32 $0xC350;
	s5 =	rddreg [dreg:$0x7]  }
0x2d: {  	[tilespmem:s6], [sflag:$0x4] =	stream.linear.gather [hbm4b:s5+s4], $0x820, $0x38;
	[tilespmem:$0x1D380] =	vst v63  }
0x2e: {  	_ =	swait.ge [sflag:s7], $0x820  }
0x2f: {  	[sflag:s7] =	ssyncset.done $0x0  }
0x30: {  	[sflag:s7] =	ssyncadd.s32 $0xFFFFF7E0  }
0x31: {  	v1 =	vld [tilespmem:$0xC350];
	_ =	sdelay $0x4  }
0x32: {  	(v2sf) =	vpush v1, $0x0;
	_ =	sdelay $0xe  }
0x33: {  	s21 =	spop (v2sf)  }
0x34: {  	s7 =	sshra.s32 s21, $0x7  }
0x35: {  	s30 =	sand.u32 $0xFFFFFFF8, s7  }
0x36: {  	p1 =	slt.s32 s30, $0x7FE8;
	s0 =	smov.u32 s30  }
0x37: {  	s0 =	simm.s32 @!p1 $0x7FE8  }
0x38: {  	s0 =	sshll.u32 s0, $0x4  }
0x39: {  	s0 =	sand.u32 $0x1FFFFF80, s0  }
0x3a: {  	s6 =	simm.s32 $0xCB70;
	s8 =	sadd.s32 s1, s0  }
0x3b: {  	v1 =	vld [tilespmem:$0xCB50];
	[tilespmem:s6], [sflag:$0x1] =	stream.linear.gather [hbm4b:s8+s4], $0xC00, $0x38  }
0x3c: {  	_ =	swait.ge [sflag:s13], $0xC00  }
0x3d: {  	[sflag:s13] =	ssyncset.done $0x0  }
0x3e: {  	s0 =	sadd.s32 s2, s0;
	[sflag:s13] =	ssyncadd.s32 $0xFFFFF400  }
0x3f: {  	[tilespmem:s14], [sflag:$0x2] =	stream.linear.gather [hbm4b:s0+s4], $0xC00, $0x38;
	[tilespmem:$0x1D380] =	vst v63  }
0x40: {  	_ = 	snop  }
0x41: {  	[tilespmem:s16], [sflag:$0x3] =	stream.indirect.gather [spmem:s3], $0x8, s6, s15, $0xb8;
	[tilespmem:$0x1D380] =	vst v63  }
0x42: {  	s9 =	simm.s32 $0xCBF0;
	s11 =	simm.s32 $0xFF70  }
0x43: {  	[tilespmem:s11], [sflag:$0x3] =	stream.indirect.gather [spmem:s3], $0x8, s9, s15, $0xb8;
	[tilespmem:$0x1D380] =	vst v63  }
0x44: {  	s12 =	simm.s32 $0xCC70;
	s18 =	simm.s32 $0x10370  }
0x45: {  	[tilespmem:s18], [sflag:$0x3] =	stream.indirect.gather [spmem:s3], $0x8, s12, s15, $0xb8;
	[tilespmem:$0x1D380] =	vst v63  }
0x46: {  	s19 =	simm.s32 $0xCCF0;
	s20 =	simm.s32 $0x10770  }
0x47: {  	[tilespmem:s20], [sflag:$0x3] =	stream.indirect.gather [spmem:s3], $0x8, s19, s15, $0xb8;
	[tilespmem:$0x1D380] =	vst v63  }
0x48: {  	s22 =	simm.s32 $0xCD70;
	s23 =	simm.s32 $0x10B70  }
0x49: {  	[tilespmem:s23], [sflag:$0x3] =	stream.indirect.gather [spmem:s3], $0x8, s22, s15, $0xb8;
	[tilespmem:$0x1D380] =	vst v63  }
0x4a: {  	s24 =	simm.s32 $0xCDF0;
	s25 =	simm.s32 $0x10F70  }
0x4b: {  	[tilespmem:s25], [sflag:$0x3] =	stream.indirect.gather [spmem:s3], $0x8, s24, s15, $0xb8;
	[tilespmem:$0x1D380] =	vst v63  }
0x4c: {  	s26 =	simm.s32 $0xCE70;
	s29 =	simm.s32 $0x11370  }
0x4d: {  	[tilespmem:s29], [sflag:$0x3] =	stream.indirect.gather [spmem:s3], $0x8, s26, s15, $0xb8;
	[tilespmem:$0x1D380] =	vst v63  }
0x4e: {  	s7 =	simm.s32 $0xCEF0;
	s8 =	simm.s32 $0x11770  }
0x4f: {  	[tilespmem:s8], [sflag:$0x3] =	stream.indirect.gather [spmem:s3], $0x8, s7, s15, $0xb8;
	[tilespmem:$0x1D380] =	vst v63  }
0x50: {  	s9 =	simm.s32 $0xCF70;
	s11 =	simm.s32 $0x11B70  }
0x51: {  	[tilespmem:s11], [sflag:$0x3] =	stream.indirect.gather [spmem:s3], $0x8, s9, s15, $0xb8;
	[tilespmem:$0x1D380] =	vst v63  }
0x52: {  	s12 =	simm.s32 $0xCFF0;
	s18 =	simm.s32 $0x11F70  }
0x53: {  	[tilespmem:s18], [sflag:$0x3] =	stream.indirect.gather [spmem:s3], $0x8, s12, s15, $0xb8;
	[tilespmem:$0x1D380] =	vst v63  }
0x54: {  	s19 =	simm.s32 $0xD070;
	s20 =	simm.s32 $0x12370  }
0x55: {  	[tilespmem:s20], [sflag:$0x3] =	stream.indirect.gather [spmem:s3], $0x8, s19, s15, $0xb8;
	[tilespmem:$0x1D380] =	vst v63  }
0x56: {  	s22 =	simm.s32 $0xD0F0;
	s23 =	simm.s32 $0x12770  }
0x57: {  	[tilespmem:s23], [sflag:$0x3] =	stream.indirect.gather [spmem:s3], $0x8, s22, s15, $0xb8;
	[tilespmem:$0x1D380] =	vst v63  }
0x58: {  	s24 =	simm.s32 $0xD170;
	s25 =	simm.s32 $0x12B70  }
0x59: {  	[tilespmem:s25], [sflag:$0x3] =	stream.indirect.gather [spmem:s3], $0x8, s24, s15, $0xb8;
	[tilespmem:$0x1D380] =	vst v63  }
0x5a: {  	s26 =	simm.s32 $0xD1F0;
	s29 =	simm.s32 $0x12F70  }
0x5b: {  	[tilespmem:s29], [sflag:$0x3] =	stream.indirect.gather [spmem:s3], $0x8, s26, s15, $0xb8;
	[tilespmem:$0x1D380] =	vst v63  }
0x5c: {  	s7 =	simm.s32 $0xD270;
	s8 =	simm.s32 $0x13370  }
0x5d: {  	[tilespmem:s8], [sflag:$0x3] =	stream.indirect.gather [spmem:s3], $0x8, s7, s15, $0xb8;
	[tilespmem:$0x1D380] =	vst v63  }
0x5e: {  	s9 =	simm.s32 $0xD2F0;
	s11 =	simm.s32 $0x13770  }
0x5f: {  	[tilespmem:s11], [sflag:$0x3] =	stream.indirect.gather [spmem:s3], $0x8, s9, s15, $0xb8;
	[tilespmem:$0x1D380] =	vst v63  }
0x60: {  	s12 =	simm.s32 $0xD370;
	s18 =	simm.s32 $0x13B70  }
0x61: {  	[tilespmem:s18], [sflag:$0x3] =	stream.indirect.gather [spmem:s3], $0x8, s12, s15, $0xb8;
	[tilespmem:$0x1D380] =	vst v63  }
0x62: {  	s19 =	simm.s32 $0xD3F0;
	s20 =	simm.s32 $0x13F70  }
0x63: {  	[tilespmem:s20], [sflag:$0x3] =	stream.indirect.gather [spmem:s3], $0x8, s19, s15, $0xb8;
	[tilespmem:$0x1D380] =	vst v63  }
0x64: {  	p1 =	slt.s32 s30, $0x7FD8;
	s22 =	simm.s32 $0xD470;
	s23 =	simm.s32 $0x14370  }
0x65: {  	[tilespmem:s23], [sflag:$0x3] =	stream.indirect.gather [spmem:s3], $0x8, s22, s15, $0xb8;
	[tilespmem:$0x1D380] =	vst v63  }
0x66: {  	s0 =	smov.u32 s30;
	s24 =	simm.s32 $0xD4F0;
	s25 =	simm.s32 $0x14770  }
0x67: {  	[tilespmem:s25], [sflag:$0x3] =	stream.indirect.gather [spmem:s3], $0x8, s24, s15, $0xb8;
	[tilespmem:$0x1D380] =	vst v63  }
0x68: {  	s0 =	simm.s32 @!p1 $0x7FD8;
	s26 =	simm.s32 $0xD570;
	s29 =	simm.s32 $0x14B70  }
0x69: {  	[tilespmem:s29], [sflag:$0x3] =	stream.indirect.gather [spmem:s3], $0x8, s26, s15, $0xb8;
	[tilespmem:$0x1D380] =	vst v63  }
0x6a: {  	s0 =	sshll.u32 s0, $0x7;
	s7 =	simm.s32 $0xD5F0;
	s8 =	simm.s32 $0x14F70  }
0x6b: {  	[tilespmem:s8], [sflag:$0x3] =	stream.indirect.gather [spmem:s3], $0x8, s7, s15, $0xb8;
	[tilespmem:$0x1D380] =	vst v63  }
0x6c: {  	s0 =	sadd.s32 $0x800, s0;
	s9 =	simm.s32 $0xD670;
	s11 =	simm.s32 $0x15370  }
0x6d: {  	[tilespmem:s11], [sflag:$0x3] =	stream.indirect.gather [spmem:s3], $0x8, s9, s15, $0xb8;
	[tilespmem:$0x1D380] =	vst v63  }
0x6e: {  	s0 =	sshrl.u32 s0, $0x3;
	s12 =	simm.s32 $0xD6F0;
	s18 =	simm.s32 $0x15770  }
0x6f: {  	[tilespmem:s18], [sflag:$0x3] =	stream.indirect.gather [spmem:s3], $0x8, s12, s15, $0xb8;
	[tilespmem:$0x1D380] =	vst v63  }
0x70: {  	s19 =	sadd.s32 s1, s0;
	s20 =	simm.s32 $0xD770  }
0x71: {  	[tilespmem:s20], [sflag:$0x1] =	stream.linear.gather [hbm4b:s19+s4], $0xC00, $0x38;
	[tilespmem:$0x1D380] =	vst v63  }
0x72: {  	_ =	swait.ge [sflag:s10], $0x6000  }
0x73: {  	[sflag:s10] =	ssyncset.done $0x0  }
0x74: {  	[sflag:s10] =	ssyncadd.s32 $0xFFFFA000  }
0x75: {  	_ =	swait.ge [sflag:s17], $0xC00  }
0x76: {  	[sflag:s17] =	ssyncset.done $0x0  }
0x77: {  	[sflag:s17] =	ssyncadd.s32 $0xFFFFF400  }
0x78: {  	_ =	swait.ge [sflag:s13], $0xC00  }
0x79: {  	[sflag:s13] =	ssyncset.done $0x0  }
0x7a: {  	s0 =	sadd.s32 s2, s0;
	s22 =	simm.s32 $0xEF70;
	[sflag:s13] =	ssyncadd.s32 $0xFFFFF400  }
0x7b: {  	[tilespmem:s22], [sflag:$0x2] =	stream.linear.gather [hbm4b:s0+s4], $0xC00, $0x38;
	[tilespmem:$0x1D380] =	vst v63  }
0x7c: {  	s23 =	simm.s32 $0x15B70  }
0x7d: {  	[tilespmem:s23], [sflag:$0x3] =	stream.indirect.gather [spmem:s3], $0x8, s20, s15, $0xb8;
	[tilespmem:$0x1D380] =	vst v63  }
0x7e: {  	s24 =	simm.s32 $0xD7F0;
	s25 =	simm.s32 $0x15F70  }
0x7f: {  	[tilespmem:s25], [sflag:$0x3] =	stream.indirect.gather [spmem:s3], $0x8, s24, s15, $0xb8;
	[tilespmem:$0x1D380] =	vst v63  }
0x80: {  	s26 =	simm.s32 $0xD870;
	s29 =	simm.s32 $0x16370  }
0x81: {  	[tilespmem:s29], [sflag:$0x3] =	stream.indirect.gather [spmem:s3], $0x8, s26, s15, $0xb8;
	[tilespmem:$0x1D380] =	vst v63  }
0x82: {  	s7 =	simm.s32 $0xD8F0;
	s8 =	simm.s32 $0x16770  }
0x83: {  	[tilespmem:s8], [sflag:$0x3] =	stream.indirect.gather [spmem:s3], $0x8, s7, s15, $0xb8;
	[tilespmem:$0x1D380] =	vst v63  }
0x84: {  	s9 =	simm.s32 $0xD970;
	s11 =	simm.s32 $0x16B70  }
0x85: {  	[tilespmem:s11], [sflag:$0x3] =	stream.indirect.gather [spmem:s3], $0x8, s9, s15, $0xb8;
	[tilespmem:$0x1D380] =	vst v63  }
0x86: {  	s12 =	simm.s32 $0xD9F0;
	s18 =	simm.s32 $0x16F70  }
0x87: {  	[tilespmem:s18], [sflag:$0x3] =	stream.indirect.gather [spmem:s3], $0x8, s12, s15, $0xb8;
	[tilespmem:$0x1D380] =	vst v63  }
0x88: {  	s19 =	simm.s32 $0xDA70;
	s20 =	simm.s32 $0x17370  }
0x89: {  	[tilespmem:s20], [sflag:$0x3] =	stream.indirect.gather [spmem:s3], $0x8, s19, s15, $0xb8;
	[tilespmem:$0x1D380] =	vst v63  }
0x8a: {  	s22 =	simm.s32 $0xDAF0;
	s23 =	simm.s32 $0x17770  }
0x8b: {  	[tilespmem:s23], [sflag:$0x3] =	stream.indirect.gather [spmem:s3], $0x8, s22, s15, $0xb8;
	[tilespmem:$0x1D380] =	vst v63  }
0x8c: {  	s24 =	simm.s32 $0xDB70;
	s25 =	simm.s32 $0x17B70  }
0x8d: {  	[tilespmem:s25], [sflag:$0x3] =	stream.indirect.gather [spmem:s3], $0x8, s24, s15, $0xb8;
	[tilespmem:$0x1D380] =	vst v63  }
0x8e: {  	s26 =	simm.s32 $0xDBF0;
	s29 =	simm.s32 $0x17F70  }
0x8f: {  	[tilespmem:s29], [sflag:$0x3] =	stream.indirect.gather [spmem:s3], $0x8, s26, s15, $0xb8;
	[tilespmem:$0x1D380] =	vst v63  }
0x90: {  	s7 =	simm.s32 $0xDC70;
	s8 =	simm.s32 $0x18370  }
0x91: {  	[tilespmem:s8], [sflag:$0x3] =	stream.indirect.gather [spmem:s3], $0x8, s7, s15, $0xb8;
	[tilespmem:$0x1D380] =	vst v63  }
0x92: {  	s9 =	simm.s32 $0xDCF0;
	s11 =	simm.s32 $0x18770  }
0x93: {  	[tilespmem:s11], [sflag:$0x3] =	stream.indirect.gather [spmem:s3], $0x8, s9, s15, $0xb8;
	[tilespmem:$0x1D380] =	vst v63  }
0x94: {  	s12 =	simm.s32 $0xDD70;
	s18 =	simm.s32 $0x18B70  }
0x95: {  	[tilespmem:s18], [sflag:$0x3] =	stream.indirect.gather [spmem:s3], $0x8, s12, s15, $0xb8;
	[tilespmem:$0x1D380] =	vst v63  }
0x96: {  	s19 =	simm.s32 $0xDDF0;
	s20 =	simm.s32 $0x18F70  }
0x97: {  	[tilespmem:s20], [sflag:$0x3] =	stream.indirect.gather [spmem:s3], $0x8, s19, s15, $0xb8;
	[tilespmem:$0x1D380] =	vst v63  }
0x98: {  	s22 =	simm.s32 $0xDE70;
	s23 =	simm.s32 $0x19370  }
0x99: {  	[tilespmem:s23], [sflag:$0x3] =	stream.indirect.gather [spmem:s3], $0x8, s22, s15, $0xb8;
	[tilespmem:$0x1D380] =	vst v63  }
0x9a: {  	s24 =	simm.s32 $0xDEF0;
	s25 =	simm.s32 $0x19770  }
0x9b: {  	[tilespmem:s25], [sflag:$0x3] =	stream.indirect.gather [spmem:s3], $0x8, s24, s15, $0xb8;
	[tilespmem:$0x1D380] =	vst v63  }
0x9c: {  	(v2sf) =	vpush v1, $0x0;
	s26 =	simm.s32 $0xDF70;
	s29 =	simm.s32 $0x19B70  }
0x9d: {  	[tilespmem:s29], [sflag:$0x3] =	stream.indirect.gather [spmem:s3], $0x8, s26, s15, $0xb8;
	[tilespmem:$0x1D380] =	vst v63  }
0x9e: {  	p1 =	slt.s32 s30, $0x7FC8;
	s7 =	simm.s32 $0xDFF0;
	s8 =	simm.s32 $0x19F70  }
0x9f: {  	[tilespmem:s8], [sflag:$0x3] =	stream.indirect.gather [spmem:s3], $0x8, s7, s15, $0xb8;
	[tilespmem:$0x1D380] =	vst v63  }
0xa0: {  	s0 =	smov.u32 s30;
	s9 =	simm.s32 $0xE070;
	s11 =	simm.s32 $0x1A370  }
0xa1: {  	[tilespmem:s11], [sflag:$0x3] =	stream.indirect.gather [spmem:s3], $0x8, s9, s15, $0xb8;
	[tilespmem:$0x1D380] =	vst v63  }
0xa2: {  	s0 =	simm.s32 @!p1 $0x7FC8;
	s12 =	simm.s32 $0xE0F0;
	s18 =	simm.s32 $0x1A770  }
0xa3: {  	[tilespmem:s18], [sflag:$0x3] =	stream.indirect.gather [spmem:s3], $0x8, s12, s15, $0xb8;
	[tilespmem:$0x1D380] =	vst v63  }
0xa4: {  	s0 =	sshll.u32 s0, $0x7;
	s19 =	simm.s32 $0xE170;
	s20 =	simm.s32 $0x1AB70  }
0xa5: {  	[tilespmem:s20], [sflag:$0x3] =	stream.indirect.gather [spmem:s3], $0x8, s19, s15, $0xb8;
	[tilespmem:$0x1D380] =	vst v63  }
0xa6: {  	s0 =	sadd.s32 $0x1000, s0;
	s22 =	simm.s32 $0xE1F0;
	s23 =	simm.s32 $0x1AF70  }
0xa7: {  	[tilespmem:s23], [sflag:$0x3] =	stream.indirect.gather [spmem:s3], $0x8, s22, s15, $0xb8;
	[tilespmem:$0x1D380] =	vst v63  }
0xa8: {  	s0 =	sshrl.u32 s0, $0x3;
	s24 =	simm.s32 $0xE270;
	s25 =	simm.s32 $0x1B370  }
0xa9: {  	[tilespmem:s25], [sflag:$0x3] =	stream.indirect.gather [spmem:s3], $0x8, s24, s15, $0xb8;
	[tilespmem:$0x1D380] =	vst v63  }
.Ltmp2:
0xaa: {  	s0 =	sadd.s32 s1, s0;
	(pc) =	sbr.rel .LBB2_2-.Ltmp2, $4  }
0xab: {  	s31 =	spop (v2sf);
	s26 =	simm.s32 $0xE2F0;
	s29 =	simm.s32 $0x1B770  }
0xac: {  	[tilespmem:s29], [sflag:$0x3] =	stream.indirect.gather [spmem:s3], $0x8, s26, s15, $0xb8;
	[tilespmem:$0x1D380] =	vst v63  }
0xad: {  	s18 =	sadd.s32 $0x20, s30;
	s19 =	simm.s32 $0x0;
	s20 =	simm.s32 $0x0  }
0xae: {  	[tilespmem:s6], [sflag:$0x1] =	stream.linear.gather [hbm4b:s0+s4], $0xC00, $0x38;
	[tilespmem:$0x1D380] =	vst v63  }
.LBB2_17:
0xaf: {  	s0 =	simm.s32 $0x1  }
0xb0: {  	s0 =	simm.s32 @!p1 $0x0  }
0xb1: {  	s19 =	sadd.s32 s0, s19  }
0xb2: {  	s0 =	sshll.u32 s19, $0x4  }
0xb3: {  	s6 =	sand.u32 $0x1, s19;
	s0 =	sadd.s32 s30, s0  }
0xb4: {  	p2 =	seq.s32 s6, $0x1;
	s6 =	simm.s32 $0xC00;
	p1 =	slt.s32 s0, $0x7FE8  }
0xb5: {  	s6 =	simm.s32 @!p2 $0x0;
	s0 =	simm.s32 @!p1 $0x7FE8  }
0xb6: {  	v4 =	vmov s7;
	s5 =	sadd.s32 s5, s6;
	s0 =	sshll.u32 s0, $0x7  }
0xb7: {  	vm3 =	vgt.u32 v4, v0;
	s0 =	ssub.s32 s5, s0  }
0xb8: {  	v62 =	vadd.s32 s0, v0  }
0xb9: {  	v5 =	vshll.u32 v62, $0x3  }
0xba: {  	v6 =	vor.u32 $0x1, v5;
	_ =	sdelay $0x1  }
0xbb: {  	v7 =	vor.u32 $0x2, v5  }
0xbc: {  	v4 =	vld.idx.msk [tilespmem:v62+s14+$0x0], vm3  }
0xbd: {  	v5 =	vld.idx.msk [tilespmem:v5+s16+$0x0], vm3  }
0xbe: {  	v6 =	vld.idx.msk [tilespmem:v6+s16+$0x0], vm3;
	_ =	sdelay $0x1  }
0xbf: {  	v7 =	vld.idx.msk [tilespmem:v7+s16+$0x0], vm3;
	_ =	sdelay $0x1  }
0xc0: {  	v4 =	vnsel vm3, $0x0, v4;
	v5 =	vnsel vm3, $0x0, v5  }
0xc1: {  	v6 =	vnsel vm3, $0x0, v6;
	v5 =	vmul.f32 v5, v4  }
0xc2: {  	v6 =	vmul.f32 v6, v4  }
0xc3: {  	v7 =	vnsel vm3, $0x0, v7;
	v3 =	vadd.f32 v5, v3  }
0xc4: {  	v4 =	vmul.f32 v7, v4;
	v2 =	vadd.f32 v6, v2  }
0xc5: {  	(xrf2) =	vadd.scan.msk.f32 $0xffff, v3  }
0xc6: {  	v1 =	vadd.f32 v4, v1;
	(xrf2) =	vadd.scan.msk.f32 $0xffff, v2;
	_ =	sdelay $0x1  }
0xc7: {  	(xrf2) =	vadd.scan.msk.f32 $0xffff, v1;
	_ =	sdelay $0x6  }
0xc8: {  	v1, _, _ =	vpop (xrf2)  }
0xc9: {  	s29 =	smul.u32 $0x3, s20;
	v2, _, _ =	vpop (xrf2)  }
0xca: {  	v1 =	vbroadcast v1, $0xF;
	v2 =	vbroadcast v2, $0xF  }
0xcb: {  	s20 =	sadd.s32 $0x1, s20;
	v63 =	vadd.s32 s29, v0;
	v3, _, _ =	vpop (xrf2)  }
0xcc: {  	p1 =	sne.s32 s20, $0x800;
	v1 =	vnsel vm0, $0x0, v1;
	v3 =	vbroadcast v3, $0xF;
	v2 =	vnsel vm1, $0x0, v2  }
.Ltmp3:
0xcd: {  	v1 =	vadd.f32 v2, v1;
	(pc) =	sbr.rel @!p1 .LBB2_18-.Ltmp3, $3  }
0xce: {  	v2 =	vnsel vm2, $0x0, v3  }
0xcf: {  	v1 =	vadd.f32 v2, v1;
	_ =	sdelay $0x1  }
0xd0: {  	s21 =	smov.u32 s22;
	[tilespmem:v63+s28+$0x0] =	vst.idx.msk $0x7, v1  }
.LBB2_2:
0xd1: {  	v1 =	vld [tilespmem:s20+$0xC351];
	_ =	sdelay $0x4  }
0xd2: {  	(v2sf) =	vpush v1, $0x0;
	_ =	sdelay $0xe  }
0xd3: {  	s22 =	spop (v2sf)  }
0xd4: {  	s23 =	ssub.s32 s22, s21  }
0xd5: {  	s5 =	sshra.s32 s23, $0x4  }
0xd6: {  	s0 =	sadd.s32 $0x3F, s5  }
0xd7: {  	s25 =	sshra.s32 s0, $0x6  }
0xd8: {  	p1 =	sgt.s32 s25, $0x0  }
.Ltmp4:
0xd9: {  	_ = 	snop;
	(pc) =	sbr.rel @!p1 .LBB2_20-.Ltmp4, $1  }
0xda: {  	_ =	sdelay $0x3  }
.Ltmp5:
0xdb: {  	(pc) =	sbr.rel .LBB2_4-.Ltmp5, $2  }
0xdc: {  	_ =	sdelay $0x2  }
0xdd: {  	s26 =	simm.s32 $0x0;
	v1 =	vimm.f32 $0.0e+00;
	s24 =	smov.u32 s5;
	v2 =	vimm.f32 $0.0e+00;
	v3 =	vimm.f32 $0.0e+00  }
.LBB2_20:
0xde: {  	s6 =	sshll.u32 s19, $0x4  }
0xdf: {  	s0 =	sadd.s32 s30, s6  }
0xe0: {  	p1 =	slt.s32 s0, $0x7FE8  }
0xe1: {  	s0 =	simm.s32 @!p1 $0x7FE8  }
0xe2: {  	v3 =	vimm.f32 $0.0e+00;
	v2 =	vimm.f32 $0.0e+00;
	v1 =	vimm.f32 $0.0e+00;
	s8 =	sshll.u32 s0, $0x7  }
.LBB2_15:
0xe3: {  	s0 =	sand.u32 $0xFFFFFFF0, s23  }
0xe4: {  	s5 =	sadd.s32 s21, s0  }
0xe5: {  	s0 =	sadd.s32 $0x10, s5  }
0xe6: {  	s9 =	smov.u32 s31;
	p1 =	slt.s32 s0, s31  }
0xe7: {  	s7 =	sand.u32 $0xF, s23;
	s29 =	sadd.s32 $0xC00, s8;
	s9 =	smov.u32 @p1 s0  }
0xe8: {  	p6 =	sne.s32 s7, $0x0;
	p2 =	sgt.s32 s9, s29  }
0xe9: {  	p1 =	por !p6, !p2  }
0xea: {  	p1 =	por !p1, !p1  }
.Ltmp6:
0xeb: {  	_ = 	snop;
	(pc) =	sbr.rel @!p1 .LBB2_17-.Ltmp6, $1  }
0xec: {  	_ =	sdelay $0x3  }
0xed: {  	_ =	swait.ge [sflag:s10], $0x6000  }
0xee: {  	[sflag:s10] =	ssyncset.done $0x0  }
0xef: {  	[sflag:s10] =	ssyncadd.s32 $0xFFFFA000  }
0xf0: {  	s0 =	sadd.s32 s6, s18;
	s25 =	sand.u32 $0x1, s19;
	_ =	swait.ge [sflag:s17], $0xC00  }
0xf1: {  	p2 =	slt.s32 s0, $0x7FE8;
	s8 =	smul.u32 $0x3000, s25;
	[sflag:s17] =	ssyncset.done $0x0  }
0xf2: {  	s6 =	smul.u32 $0x18000, s25;
	s0 =	simm.s32 @!p2 $0x7FE8;
	[sflag:s17] =	ssyncadd.s32 $0xFFFFF400  }
0xf3: {  	s9 =	sshll.u32 s0, $0x4;
	s0 =	sshrl.u32 s8, $0x2;
	_ =	swait.ge [sflag:s13], $0xC00  }
0xf4: {  	s6 =	sshrl.u32 s6, $0x2;
	s26 =	sand.u32 $0x1FFFFF80, s9;
	[sflag:s13] =	ssyncset.done $0x0  }
0xf5: {  	s29 =	sor.u32 $0xE370, s0;
	s8 =	sadd.s32 s2, s26;
	[sflag:s13] =	ssyncadd.s32 $0xFFFFF400  }
0xf6: {  	[tilespmem:s29], [sflag:$0x2] =	stream.linear.gather [hbm4b:s8+s4], $0xC00, $0x38;
	[tilespmem:$0x1D380] =	vst v63  }
0xf7: {  	s11 =	sadd.s32 $0xFB70, s6;
	s12 =	sadd.s32 $0xCB70, s0  }
0xf8: {  	[tilespmem:s11], [sflag:$0x3] =	stream.indirect.gather [spmem:s3], $0x8, s12, s15, $0xb8;
	[tilespmem:$0x1D380] =	vst v63  }
0xf9: {  	s21 =	sadd.s32 $0xFF70, s6;
	s23 =	sadd.s32 $0xCBF0, s0  }
0xfa: {  	[tilespmem:s21], [sflag:$0x3] =	stream.indirect.gather [spmem:s3], $0x8, s23, s15, $0xb8;
	[tilespmem:$0x1D380] =	vst v63  }
0xfb: {  	s24 =	sor.u32 $0x10370, s6;
	s25 =	sadd.s32 $0xCC70, s0  }
0xfc: {  	[tilespmem:s24], [sflag:$0x3] =	stream.indirect.gather [spmem:s3], $0x8, s25, s15, $0xb8;
	[tilespmem:$0x1D380] =	vst v63  }
0xfd: {  	s26 =	sor.u32 $0x10770, s6;
	s29 =	sadd.s32 $0xCCF0, s0  }
0xfe: {  	[tilespmem:s26], [sflag:$0x3] =	stream.indirect.gather [spmem:s3], $0x8, s29, s15, $0xb8;
	[tilespmem:$0x1D380] =	vst v63  }
0xff: {  	s11 =	sor.u32 $0x10B70, s6;
	s12 =	sadd.s32 $0xCD70, s0  }
0x100: {  	[tilespmem:s11], [sflag:$0x3] =	stream.indirect.gather [spmem:s3], $0x8, s12, s15, $0xb8;
	[tilespmem:$0x1D380] =	vst v63  }
0x101: {  	s21 =	sor.u32 $0x10F70, s6;
	s23 =	sadd.s32 $0xCDF0, s0  }
0x102: {  	[tilespmem:s21], [sflag:$0x3] =	stream.indirect.gather [spmem:s3], $0x8, s23, s15, $0xb8;
	[tilespmem:$0x1D380] =	vst v63  }
0x103: {  	s24 =	sor.u32 $0x11370, s6;
	s25 =	sadd.s32 $0xCE70, s0  }
0x104: {  	[tilespmem:s24], [sflag:$0x3] =	stream.indirect.gather [spmem:s3], $0x8, s25, s15, $0xb8;
	[tilespmem:$0x1D380] =	vst v63  }
0x105: {  	s26 =	sor.u32 $0x11770, s6;
	s29 =	sadd.s32 $0xCEF0, s0  }
0x106: {  	[tilespmem:s26], [sflag:$0x3] =	stream.indirect.gather [spmem:s3], $0x8, s29, s15, $0xb8;
	[tilespmem:$0x1D380] =	vst v63  }
0x107: {  	s11 =	sor.u32 $0x11B70, s6;
	s12 =	sadd.s32 $0xCF70, s0  }
0x108: {  	[tilespmem:s11], [sflag:$0x3] =	stream.indirect.gather [spmem:s3], $0x8, s12, s15, $0xb8;
	[tilespmem:$0x1D380] =	vst v63  }
0x109: {  	s21 =	sor.u32 $0x11F70, s6;
	s23 =	sadd.s32 $0xCFF0, s0  }
0x10a: {  	[tilespmem:s21], [sflag:$0x3] =	stream.indirect.gather [spmem:s3], $0x8, s23, s15, $0xb8;
	[tilespmem:$0x1D380] =	vst v63  }
0x10b: {  	s24 =	sadd.s32 $0x12370, s6;
	s25 =	sor.u32 $0xD070, s0  }
0x10c: {  	[tilespmem:s24], [sflag:$0x3] =	stream.indirect.gather [spmem:s3], $0x8, s25, s15, $0xb8;
	[tilespmem:$0x1D380] =	vst v63  }
0x10d: {  	s26 =	sadd.s32 $0x12770, s6;
	s29 =	sor.u32 $0xD0F0, s0  }
0x10e: {  	[tilespmem:s26], [sflag:$0x3] =	stream.indirect.gather [spmem:s3], $0x8, s29, s15, $0xb8;
	[tilespmem:$0x1D380] =	vst v63  }
0x10f: {  	s11 =	sadd.s32 $0x12B70, s6;
	s12 =	sor.u32 $0xD170, s0  }
0x110: {  	[tilespmem:s11], [sflag:$0x3] =	stream.indirect.gather [spmem:s3], $0x8, s12, s15, $0xb8;
	[tilespmem:$0x1D380] =	vst v63  }
0x111: {  	s21 =	sadd.s32 $0x12F70, s6;
	s23 =	sor.u32 $0xD1F0, s0  }
0x112: {  	[tilespmem:s21], [sflag:$0x3] =	stream.indirect.gather [spmem:s3], $0x8, s23, s15, $0xb8;
	[tilespmem:$0x1D380] =	vst v63  }
0x113: {  	s24 =	sadd.s32 $0x13370, s6;
	s25 =	sor.u32 $0xD270, s0  }
0x114: {  	[tilespmem:s24], [sflag:$0x3] =	stream.indirect.gather [spmem:s3], $0x8, s25, s15, $0xb8;
	[tilespmem:$0x1D380] =	vst v63  }
0x115: {  	s26 =	sadd.s32 $0x13770, s6;
	s29 =	sor.u32 $0xD2F0, s0  }
0x116: {  	[tilespmem:s26], [sflag:$0x3] =	stream.indirect.gather [spmem:s3], $0x8, s29, s15, $0xb8;
	[tilespmem:$0x1D380] =	vst v63  }
0x117: {  	s11 =	sadd.s32 $0x13B70, s6;
	s12 =	sor.u32 $0xD370, s0  }
0x118: {  	[tilespmem:s11], [sflag:$0x3] =	stream.indirect.gather [spmem:s3], $0x8, s12, s15, $0xb8;
	[tilespmem:$0x1D380] =	vst v63  }
0x119: {  	s21 =	sadd.s32 $0x13F70, s6;
	s23 =	sor.u32 $0xD3F0, s0  }
0x11a: {  	[tilespmem:s21], [sflag:$0x3] =	stream.indirect.gather [spmem:s3], $0x8, s23, s15, $0xb8;
	[tilespmem:$0x1D380] =	vst v63  }
0x11b: {  	s24 =	sadd.s32 $0x14370, s6;
	s25 =	sadd.s32 $0xD470, s0  }
0x11c: {  	[tilespmem:s24], [sflag:$0x3] =	stream.indirect.gather [spmem:s3], $0x8, s25, s15, $0xb8;
	[tilespmem:$0x1D380] =	vst v63  }
0x11d: {  	s26 =	sadd.s32 $0x14770, s6;
	s29 =	sadd.s32 $0xD4F0, s0  }
0x11e: {  	[tilespmem:s26], [sflag:$0x3] =	stream.indirect.gather [spmem:s3], $0x8, s29, s15, $0xb8;
	[tilespmem:$0x1D380] =	vst v63  }
0x11f: {  	s11 =	sadd.s32 $0x14B70, s6;
	s12 =	sadd.s32 $0xD570, s0  }
0x120: {  	[tilespmem:s11], [sflag:$0x3] =	stream.indirect.gather [spmem:s3], $0x8, s12, s15, $0xb8;
	[tilespmem:$0x1D380] =	vst v63  }
0x121: {  	s21 =	sadd.s32 $0x14F70, s6;
	s23 =	sadd.s32 $0xD5F0, s0  }
0x122: {  	[tilespmem:s21], [sflag:$0x3] =	stream.indirect.gather [spmem:s3], $0x8, s23, s15, $0xb8;
	[tilespmem:$0x1D380] =	vst v63  }
0x123: {  	s24 =	sadd.s32 $0x15370, s6;
	s25 =	sadd.s32 $0xD670, s0;
	s26 =	sadd.s32 $0x3, s19  }
0x124: {  	[tilespmem:s24], [sflag:$0x3] =	stream.indirect.gather [spmem:s3], $0x8, s25, s15, $0xb8;
	[tilespmem:$0x1D380] =	vst v63  }
0x125: {  	s6 =	sadd.s32 $0x15770, s6;
	s0 =	sadd.s32 $0xD6F0, s0;
	s29 =	sshll.u32 s26, $0x4  }
0x126: {  	[tilespmem:s6], [sflag:$0x3] =	stream.indirect.gather [spmem:s3], $0x8, s0, s15, $0xb8;
	[tilespmem:$0x1D380] =	vst v63  }
0x127: {  	s6 =	sadd.s32 s30, s29  }
0x128: {  	p2 =	slt.s32 s6, $0x7FE8  }
.Ltmp7:
0x129: {  	s6 =	simm.s32 @!p2 $0x7FE8;
	(pc) =	sbr.rel .LBB2_17-.Ltmp7, $4  }
0x12a: {  	s0 =	sand.u32 $0x1, s26;
	s6 =	sshll.u32 s6, $0x4  }
0x12b: {  	p2 =	seq.s32 s0, $0x1;
	s0 =	simm.s32 $0xD770;
	s6 =	sand.u32 $0x1FFFFF80, s6  }
0x12c: {  	s0 =	simm.s32 @!p2 $0xCB70;
	s6 =	sadd.s32 s1, s6  }
0x12d: {  	[tilespmem:s0], [sflag:$0x1] =	stream.linear.gather [hbm4b:s6+s4], $0xC00, $0x38;
	[tilespmem:$0x1D380] =	vst v63  }
.LBB2_8:
0x12e: {  	v9 =	vmov v1;
	v10 =	vmov v2;
	v11 =	vmov v3  }
.LBB2_13:
0x12f: {  	_ =	sdelay $0x3  }
0x130: {  	v7 =	vld.idx.msk [tilespmem:v7+s16+$0x0], $0xffff  }
0x131: {  	v12 =	vld.idx.msk [tilespmem:v15+s16+$0x0], $0xffff  }
0x132: {  	v13 =	vld.idx.msk [tilespmem:v14+s16+$0x0], $0xffff  }
0x133: {  	v4 =	vmul.f32 @p1 v4, v16  }
0x134: {  	v6 =	vmul.f32 @p1 v6, v16;
	v8 =	vmul.f32 @p1 v8, v16  }
0x135: {  	v4 =	vadd.f32 @p1 v4, v9  }
0x136: {  	v6 =	vadd.f32 @p1 v6, v10;
	v8 =	vadd.f32 @p1 v8, v11;
	v7 =	vmul.f32 v7, v5  }
0x137: {  	v1 =	vpsel p1, v4, v1;
	v4 =	vmul.f32 v12, v5;
	v5 =	vmul.f32 v13, v5  }
0x138: {  	v2 =	vpsel p1, v6, v2;
	v3 =	vpsel p1, v8, v3;
	v1 =	vadd.f32 v7, v1  }
0x139: {  	v2 =	vadd.f32 v4, v2;
	v3 =	vadd.f32 v5, v3  }
.LBB2_14:
0x13a: {  	s26 =	sadd.s32 $0x1, s26  }
0x13b: {  	p1 =	sne.s32 s26, s25  }
.Ltmp8:
0x13c: {  	_ = 	snop;
	(pc) =	sbr.rel @!p1 .LBB2_15-.Ltmp8, $2  }
0x13d: {  	_ =	sdelay $0x2  }
0x13e: {  	s24 =	sadd.s32 $0xFFFFFFC0, s24  }
.LBB2_4:
0x13f: {  	s6 =	sshll.u32 s26, $0x6;
	s0 =	sshll.u32 s19, $0x4  }
0x140: {  	s8 =	ssub.s32 s5, s6;
	s6 =	sadd.s32 s30, s0  }
0x141: {  	p1 =	slt.s32 s8, $0x40;
	s9 =	smov.u32 s8;
	p2 =	slt.s32 s6, $0x7FE8  }
0x142: {  	s7 =	sshll.u32 s26, $0xA;
	s9 =	simm.s32 @!p1 $0x40;
	s6 =	simm.s32 @!p2 $0x7FE8  }
0x143: {  	s7 =	sadd.s32 s21, s7;
	s9 =	sshll.u32 s9, $0x4;
	s12 =	sshll.u32 s6, $0x7  }
0x144: {  	s6 =	sadd.s32 s7, s9;
	s9 =	sadd.s32 $0xC00, s12  }
0x145: {  	p1 =	sle.s32 s6, s9  }
.Ltmp9:
0x146: {  	_ = 	snop;
	(pc) =	sbr.rel @p1 .LBB2_6-.Ltmp9, $1  }
0x147: {  	_ =	sdelay $0x3  }
0x148: {  	_ =	swait.ge [sflag:s10], $0x6000  }
0x149: {  	[sflag:s10] =	ssyncset.done $0x0  }
0x14a: {  	[sflag:s10] =	ssyncadd.s32 $0xFFFFA000  }
0x14b: {  	s0 =	sadd.s32 s0, s18;
	s12 =	sand.u32 $0x1, s19;
	_ =	swait.ge [sflag:s17], $0xC00  }
0x14c: {  	p1 =	slt.s32 s0, $0x7FE8;
	s11 =	smul.u32 $0x3000, s12;
	[sflag:s17] =	ssyncset.done $0x0  }
0x14d: {  	s12 =	smul.u32 $0x18000, s12;
	s0 =	simm.s32 @!p1 $0x7FE8;
	[sflag:s17] =	ssyncadd.s32 $0xFFFFF400  }
0x14e: {  	s29 =	sshll.u32 s0, $0x4;
	s0 =	sshrl.u32 s11, $0x2;
	_ =	swait.ge [sflag:s13], $0xC00  }
0x14f: {  	s12 =	sshrl.u32 s12, $0x2;
	s11 =	sand.u32 $0x1FFFFF80, s29;
	[sflag:s13] =	ssyncset.done $0x0  }
0x150: {  	s29 =	sor.u32 $0xE370, s0;
	s11 =	sadd.s32 s2, s11;
	[sflag:s13] =	ssyncadd.s32 $0xFFFFF400  }
0x151: {  	[tilespmem:s29], [sflag:$0x2] =	stream.linear.gather [hbm4b:s11+s4], $0xC00, $0x38;
	[tilespmem:$0x1D380] =	vst v63  }
0x152: {  	s11 =	sadd.s32 $0xFB70, s12;
	s29 =	sadd.s32 $0xCB70, s0  }
0x153: {  	[tilespmem:s11], [sflag:$0x3] =	stream.indirect.gather [spmem:s3], $0x8, s29, s15, $0xb8;
	[tilespmem:$0x1D380] =	vst v63  }
0x154: {  	s11 =	sadd.s32 $0xFF70, s12;
	s29 =	sadd.s32 $0xCBF0, s0  }
0x155: {  	[tilespmem:s11], [sflag:$0x3] =	stream.indirect.gather [spmem:s3], $0x8, s29, s15, $0xb8;
	[tilespmem:$0x1D380] =	vst v63  }
0x156: {  	s11 =	sor.u32 $0x10370, s12;
	s29 =	sadd.s32 $0xCC70, s0  }
0x157: {  	[tilespmem:s11], [sflag:$0x3] =	stream.indirect.gather [spmem:s3], $0x8, s29, s15, $0xb8;
	[tilespmem:$0x1D380] =	vst v63  }
0x158: {  	s11 =	sor.u32 $0x10770, s12;
	s29 =	sadd.s32 $0xCCF0, s0  }
0x159: {  	[tilespmem:s11], [sflag:$0x3] =	stream.indirect.gather [spmem:s3], $0x8, s29, s15, $0xb8;
	[tilespmem:$0x1D380] =	vst v63  }
0x15a: {  	s11 =	sor.u32 $0x10B70, s12;
	s29 =	sadd.s32 $0xCD70, s0  }
0x15b: {  	[tilespmem:s11], [sflag:$0x3] =	stream.indirect.gather [spmem:s3], $0x8, s29, s15, $0xb8;
	[tilespmem:$0x1D380] =	vst v63  }
0x15c: {  	s11 =	sor.u32 $0x10F70, s12;
	s29 =	sadd.s32 $0xCDF0, s0  }
0x15d: {  	[tilespmem:s11], [sflag:$0x3] =	stream.indirect.gather [spmem:s3], $0x8, s29, s15, $0xb8;
	[tilespmem:$0x1D380] =	vst v63  }
0x15e: {  	s11 =	sor.u32 $0x11370, s12;
	s29 =	sadd.s32 $0xCE70, s0  }
0x15f: {  	[tilespmem:s11], [sflag:$0x3] =	stream.indirect.gather [spmem:s3], $0x8, s29, s15, $0xb8;
	[tilespmem:$0x1D380] =	vst v63  }
0x160: {  	s11 =	sor.u32 $0x11770, s12;
	s29 =	sadd.s32 $0xCEF0, s0  }
0x161: {  	[tilespmem:s11], [sflag:$0x3] =	stream.indirect.gather [spmem:s3], $0x8, s29, s15, $0xb8;
	[tilespmem:$0x1D380] =	vst v63  }
0x162: {  	s11 =	sor.u32 $0x11B70, s12;
	s29 =	sadd.s32 $0xCF70, s0  }
0x163: {  	[tilespmem:s11], [sflag:$0x3] =	stream.indirect.gather [spmem:s3], $0x8, s29, s15, $0xb8;
	[tilespmem:$0x1D380] =	vst v63  }
0x164: {  	s11 =	sor.u32 $0x11F70, s12;
	s29 =	sadd.s32 $0xCFF0, s0  }
0x165: {  	[tilespmem:s11], [sflag:$0x3] =	stream.indirect.gather [spmem:s3], $0x8, s29, s15, $0xb8;
	[tilespmem:$0x1D380] =	vst v63  }
0x166: {  	s11 =	sadd.s32 $0x12370, s12;
	s29 =	sor.u32 $0xD070, s0  }
0x167: {  	[tilespmem:s11], [sflag:$0x3] =	stream.indirect.gather [spmem:s3], $0x8, s29, s15, $0xb8;
	[tilespmem:$0x1D380] =	vst v63  }
0x168: {  	s11 =	sadd.s32 $0x12770, s12;
	s29 =	sor.u32 $0xD0F0, s0  }
0x169: {  	[tilespmem:s11], [sflag:$0x3] =	stream.indirect.gather [spmem:s3], $0x8, s29, s15, $0xb8;
	[tilespmem:$0x1D380] =	vst v63  }
0x16a: {  	s11 =	sadd.s32 $0x12B70, s12;
	s29 =	sor.u32 $0xD170, s0  }
0x16b: {  	[tilespmem:s11], [sflag:$0x3] =	stream.indirect.gather [spmem:s3], $0x8, s29, s15, $0xb8;
	[tilespmem:$0x1D380] =	vst v63  }
0x16c: {  	s11 =	sadd.s32 $0x12F70, s12;
	s29 =	sor.u32 $0xD1F0, s0  }
0x16d: {  	[tilespmem:s11], [sflag:$0x3] =	stream.indirect.gather [spmem:s3], $0x8, s29, s15, $0xb8;
	[tilespmem:$0x1D380] =	vst v63  }
0x16e: {  	s11 =	sadd.s32 $0x13370, s12;
	s29 =	sor.u32 $0xD270, s0  }
0x16f: {  	[tilespmem:s11], [sflag:$0x3] =	stream.indirect.gather [spmem:s3], $0x8, s29, s15, $0xb8;
	[tilespmem:$0x1D380] =	vst v63  }
0x170: {  	s11 =	sadd.s32 $0x13770, s12;
	s29 =	sor.u32 $0xD2F0, s0  }
0x171: {  	[tilespmem:s11], [sflag:$0x3] =	stream.indirect.gather [spmem:s3], $0x8, s29, s15, $0xb8;
	[tilespmem:$0x1D380] =	vst v63  }
0x172: {  	s11 =	sadd.s32 $0x13B70, s12;
	s29 =	sor.u32 $0xD370, s0  }
0x173: {  	[tilespmem:s11], [sflag:$0x3] =	stream.indirect.gather [spmem:s3], $0x8, s29, s15, $0xb8;
	[tilespmem:$0x1D380] =	vst v63  }
0x174: {  	s11 =	sadd.s32 $0x13F70, s12;
	s29 =	sor.u32 $0xD3F0, s0  }
0x175: {  	[tilespmem:s11], [sflag:$0x3] =	stream.indirect.gather [spmem:s3], $0x8, s29, s15, $0xb8;
	[tilespmem:$0x1D380] =	vst v63  }
0x176: {  	s11 =	sadd.s32 $0x14370, s12;
	s29 =	sadd.s32 $0xD470, s0  }
0x177: {  	[tilespmem:s11], [sflag:$0x3] =	stream.indirect.gather [spmem:s3], $0x8, s29, s15, $0xb8;
	[tilespmem:$0x1D380] =	vst v63  }
0x178: {  	s11 =	sadd.s32 $0x14770, s12;
	s29 =	sadd.s32 $0xD4F0, s0  }
0x179: {  	[tilespmem:s11], [sflag:$0x3] =	stream.indirect.gather [spmem:s3], $0x8, s29, s15, $0xb8;
	[tilespmem:$0x1D380] =	vst v63  }
0x17a: {  	s11 =	sadd.s32 $0x14B70, s12;
	s29 =	sadd.s32 $0xD570, s0  }
0x17b: {  	[tilespmem:s11], [sflag:$0x3] =	stream.indirect.gather [spmem:s3], $0x8, s29, s15, $0xb8;
	[tilespmem:$0x1D380] =	vst v63  }
0x17c: {  	s11 =	sadd.s32 $0x14F70, s12;
	s29 =	sadd.s32 $0xD5F0, s0  }
0x17d: {  	[tilespmem:s11], [sflag:$0x3] =	stream.indirect.gather [spmem:s3], $0x8, s29, s15, $0xb8;
	[tilespmem:$0x1D380] =	vst v63  }
0x17e: {  	s11 =	sadd.s32 $0x15370, s12;
	s29 =	sadd.s32 $0xD670, s0  }
0x17f: {  	[tilespmem:s11], [sflag:$0x3] =	stream.indirect.gather [spmem:s3], $0x8, s29, s15, $0xb8;
	[tilespmem:$0x1D380] =	vst v63  }
0x180: {  	s0 =	sadd.s32 $0xD6F0, s0;
	s29 =	sadd.s32 $0x15770, s12;
	s12 =	sadd.s32 $0x3, s19  }
0x181: {  	[tilespmem:s29], [sflag:$0x3] =	stream.indirect.gather [spmem:s3], $0x8, s0, s15, $0xb8;
	[tilespmem:$0x1D380] =	vst v63  }
0x182: {  	s29 =	sshll.u32 s12, $0x4  }
0x183: {  	s11 =	sadd.s32 s30, s29  }
0x184: {  	p1 =	slt.s32 s11, $0x7FE8  }
0x185: {  	s11 =	simm.s32 @!p1 $0x7FE8  }
0x186: {  	s0 =	sand.u32 $0x1, s12;
	s11 =	sshll.u32 s11, $0x4  }
0x187: {  	p1 =	seq.s32 s0, $0x1;
	s0 =	simm.s32 $0xD770;
	s11 =	sand.u32 $0x1FFFFF80, s11  }
0x188: {  	s0 =	simm.s32 @!p1 $0xCB70;
	s11 =	sadd.s32 s1, s11  }
0x189: {  	[tilespmem:s0], [sflag:$0x1] =	stream.linear.gather [hbm4b:s11+s4], $0xC00, $0x38;
	[tilespmem:$0x1D380] =	vst v63  }
.LBB2_6:
0x18a: {  	p1 =	sgt.s32 s6, s9;
	s0 =	simm.s32 $0x1  }
0x18b: {  	s0 =	simm.s32 @!p1 $0x0  }
0x18c: {  	s19 =	sadd.s32 s0, s19  }
0x18d: {  	s6 =	sshll.u32 s19, $0x4  }
0x18e: {  	s0 =	sadd.s32 s30, s6  }
0x18f: {  	p1 =	slt.s32 s0, $0x7FE8  }
0x190: {  	s0 =	simm.s32 @!p1 $0x7FE8;
	p1 =	slt.s32 s8, $0x1  }
.Ltmp10:
0x191: {  	_ = 	snop;
	(pc) =	sbr.rel @p1 .LBB2_14-.Ltmp10, $2  }
0x192: {  	_ =	sdelay $0x2  }
0x193: {  	s8 =	sshll.u32 s0, $0x7  }
0x194: {  	s0 =	sand.u32 $0x1, s19  }
0x195: {  	p1 =	seq.s32 s0, $0x1;
	s0 =	simm.s32 $0xC00  }
0x196: {  	s0 =	simm.s32 @!p1 $0x0  }
0x197: {  	s0 =	sadd.s32 s7, s0  }
0x198: {  	s0 =	ssub.s32 s0, s8  }
0x199: {  	v4 =	vadd.s32 s0, v0  }
0x19a: {  	p1 =	sgt.s32 s24, $0x1;
	s0 =	smov.u32 s24  }
0x19b: {  	s0 =	simm.s32 @!p1 $0x1  }
0x19c: {  	s0 =	smin.u32 s0, $0x40  }
0x19d: {  	p2 =	sne.s32 s0, $0x1  }
.Ltmp11:
0x19e: {  	v5 =	vld.idx.msk [tilespmem:v4+s14+$0x0], $0xffff;
	(pc) =	sbr.rel @!p2 .LBB2_8-.Ltmp11, $3  }
0x19f: {  	_ =	sdelay $0x1  }
0x1a0: {  	v14 =	vshll.u32 v4, $0x3  }
0x1a1: {  	v9 =	vadd.s32 $0x10, v4;
	p1 =	por $0x0, $0x0;
	v15 =	vor.u32 $0x1, v14;
	v7 =	vor.u32 $0x2, v14;
	s0 =	sadd.s32 $0xFFFFFFFF, s0  }
0x1a2: {  	_ =	sdelay $0x3  }
0x1a3: {  	v4 =	vld.idx.msk [tilespmem:v7+s16+$0x0], $0xffff;
	v12 =	vshll.u32 v9, $0x3;
	p2 =	sne.s32 s0, $0x1  }
.Ltmp12:
0x1a4: {  	v6 =	vld.idx.msk [tilespmem:v15+s16+$0x0], $0xffff;
	v7 =	vor.u32 $0x2, v12;
	(pc) =	sbr.rel @!p2 .LBB2_10-.Ltmp12, $2  }
0x1a5: {  	v8 =	vld.idx.msk [tilespmem:v14+s16+$0x0], $0xffff;
	v14 =	vor.u32 $0x1, v12;
	_ =	sdelay $0x2  }
0x1a6: {  	s0 =	sadd.s32 $0xFFFFFFFF, s0;
	v13 =	vld.idx.msk [tilespmem:v9+s14+$0x0], $0xffff;
	v15 =	vadd.s32 $0x10, v9;
	p1 =	por $0x1, $0x1;
	v9 =	vmovc v1;
	v10 =	vmov v2;
	v11 =	vmov v3  }
.LBB2_11:
0x1a7: {  	v16 =	vshll.u32 v15, $0x3;
	p2 =	sne.s32 s0, $0x1;
	s0 =	sadd.s32 $0xFFFFFFFF, s0;
	v17 =	vmul.f32 v4, v5;
	v4 =	vld.idx.msk [tilespmem:v7+s16+$0x0], $0xffff  }
.Ltmp13:
0x1a8: {  	v18 =	vmul.f32 v6, v5;
	v7 =	vor.u32 $0x2, v16;
	v6 =	vld.idx.msk [tilespmem:v14+s16+$0x0], $0xffff;
	v14 =	vor.u32 $0x1, v16;
	(pc) =	sbr.rel @p2 .LBB2_11-.Ltmp13, $4  }
0x1a9: {  	v19 =	vmul.f32 v8, v5;
	v8 =	vld.idx.msk [tilespmem:v12+s16+$0x0], $0xffff;
	v9 =	vadd.f32 v17, v9;
	v12 =	vmov v16  }
0x1aa: {  	v10 =	vadd.f32 v18, v10  }
0x1ab: {  	v11 =	vadd.f32 v19, v11  }
0x1ac: {  	v5 =	vmov v13;
	v13 =	vld.idx.msk [tilespmem:v15+s14+$0x0], $0xffff;
	v15 =	vadd.s32 $0x10, v15  }
.Ltmp14:
0x1ad: {  	_ = 	snop;
	(pc) =	sbr.rel .LBB2_13-.Ltmp14, $2  }
0x1ae: {  	_ =	sdelay $0x2  }
0x1af: {  	v16 =	vmovc v5;
	v15 =	vmov v14;
	v14 =	vmov v12;
	v5 =	vmov v13  }
.LBB2_10:
.Ltmp15:
0x1b0: {  	_ = 	snop;
	(pc) =	sbr.rel .LBB2_13-.Ltmp15, $3  }
0x1b1: {  	_ =	sdelay $0x1  }
0x1b2: {  	v16 =	vmov v5;
	v15 =	vmov v14  }
0x1b3: {  	v14 =	vmovc v12;
	v9 =	vmovc v1;
	v10 =	vmov v2;
	v11 =	vmov v3;
	v5 =	vmov v13  }
.LBB2_19:
0x1b4: {  	_ =	sfence.sel $0x180000  }
0x1b5: {  	[bflag:$0x0] =	sbarrier.arrive $0xFFFF  }
0x1b6: {  	_ =	strace $0x90000047  }
0x1b7: {  	[bflag:$0x2] =	sbarrier.arrive $0xFFFF  }
0x1b8: {  	s0 =	rddreg [dreg:$0x5]  }
0x1b9: {  	s0 =	sadd.s32 @!p0 $0x100000, s0  }
0x1ba: {  	[sflag:s0] =	ssyncadd.tile.s32 @!p0 $0x1;
	_ =	shalt  }
.Lfunc_end2:
_tile_overlayer_lowered:
.L_overlay_start_2:
0x1bb: {  	(tag) =	ssettag $0x2  }
0x1bc: {  	s0 =	rddreg [dreg:$0x0];
	s2 =	stileid.u32  }
0x1bd: {  	s1 =	rddreg [dreg:$0x1];
	p0 =	sne.s32 s2, $0x0  }
0x1be: {  	s3 =	rddreg [dreg:$0x2];
	[bflag:$0x3] =	sbarrier.arrive $0xFFFF;
	s2 =	simm.s32 @!p0 $0x1C04  }
0x1bf: {  	[timem:s3], [sflag:s2] =	dma.local @!p0 [hbm:s0], s1  }
0x1c0: {  	s0 =	simm.s32 @!p0 $0x4  }
0x1c1: {  	_ =	swait.ge @!p0 [sflag:s0], s1  }
0x1c2: {  	s1 =	ssub.s32 @!p0 $0x0, s1;
	[sflag:s0] =	ssyncset.done @!p0 $0x0  }
0x1c3: {  	[sflag:s0] =	ssyncadd.s32 @!p0 s1  }
0x1c4: {  	[bflag:$0x3] =	sbarrier.arrive $0xFFFF  }
0x1c5: {  	_ =	shalt  }

</sc_bundles>
